<compile_context>
chip_gen: v7x
topology: tpu7x:2x2x1
jax: 0.10.2.dev20260603
libtpu: 0.0.44.dev20260713+nightly
codegen_flags: <defaults>
</compile_context>

<pallas_src>
import functools

import jax
import jax.numpy as jnp
from jax import lax
from jax.experimental import pallas as pl
from jax.experimental.pallas import tpu as pltpu
from jax.experimental.pallas import tpu_sc as plsc

NC = 2
NS = 16
L = 16
NW = NC * NS

B = 16384
D = 128
BPW = B // NW
CHUNK = 32
NCHUNK = BPW // CHUNK
NBUF = 6
AHEAD = NBUF - 2


def _body(s_h, r_h, o_h, ere_h, eim_h, rcat_h, out_h,
          idx_s, idx_r, idx_o,
          sre_b, sim_b, ore_b, oim_b, rcat_b,
          out_v, sem):
    wid = lax.axis_index("s") * NC + lax.axis_index("c")
    base = wid * BPW

    i0 = pltpu.async_copy(s_h.at[pl.ds(base, BPW)], idx_s, sem.at[0])
    i1 = pltpu.async_copy(r_h.at[pl.ds(base, BPW)], idx_r, sem.at[0])
    i2 = pltpu.async_copy(o_h.at[pl.ds(base, BPW)], idx_o, sem.at[0])
    i0.wait(); i1.wait(); i2.wait()

    lane = lax.iota(jnp.int32, L)

    def copies(c, p):
        isl = pl.ds(c * CHUNK, CHUNK)
        return [
            (ere_h.at[idx_s.at[isl]], sre_b.at[p]),
            (eim_h.at[idx_s.at[isl]], sim_b.at[p]),
            (ere_h.at[idx_o.at[isl]], ore_b.at[p]),
            (eim_h.at[idx_o.at[isl]], oim_b.at[p]),
            (rcat_h.at[idx_r.at[isl]], rcat_b.at[p]),
        ]

    def issue(c, p):
        for src, dst in copies(c, p):
            pltpu.async_copy(src, dst, sem.at[p])

    def drain(c, p):
        for src, dst in copies(c, p):
            pltpu.make_async_copy(src, dst, sem.at[p]).wait()

    def compute(c, p):
        def group_body(g, carry):
            def elem_body(i, scores):
                row = g * L + i

                def acc_col(j, rr, ri):
                    dsl = pl.ds(j * L, L)
                    sre = sre_b[p, row, dsl]
                    sim = sim_b[p, row, dsl]
                    orr = ore_b[p, row, dsl]
                    oim = oim_b[p, row, dsl]
                    t1 = rr * orr + ri * oim
                    t2 = rr * oim - ri * orr
                    return sre * t1 + sim * t2

                acc = None
                for jj in range(D // 32):
                    rr0, rr1 = plsc.unpack(
                        plsc.bitcast(rcat_b[p, row, pl.ds(jj * L, L)],
                                     jnp.bfloat16),
                        format=plsc.PackFormat.INTERLEAVED)
                    ri0, ri1 = plsc.unpack(
                        plsc.bitcast(rcat_b[p, row, pl.ds(D // 2 + jj * L, L)],
                                     jnp.bfloat16),
                        format=plsc.PackFormat.INTERLEAVED)
                    for h, rr, ri in ((0, rr0, ri0), (1, rr1, ri1)):
                        a = acc_col(jj * 2 + h, rr, ri)
                        acc = a if acc is None else acc + a
                tot = jnp.sum(acc)
                return jnp.where(lane == i, tot, scores)

            scores = lax.fori_loop(0, L, elem_body,
                                   jnp.zeros((L,), jnp.float32))
            out_v[pl.ds(c * CHUNK + g * L, L)] = scores
            return carry

        lax.fori_loop(0, CHUNK // L, group_body, 0)

    for c in range(AHEAD):
        issue(c, c)

    def chunk_body(c, carry):
        p = lax.rem(c, NBUF)
        drain(c, p)

        @pl.when(c < NCHUNK - AHEAD)
        def _():
            issue(c + AHEAD, lax.rem(c + AHEAD, NBUF))

        compute(c, p)
        return carry

    lax.fori_loop(0, NCHUNK, chunk_body, 0)

    pltpu.sync_copy(out_v, out_h.at[pl.ds(base, BPW)])


def _swizzle_bf16(R):
    n, d = R.shape
    Rb = (R.reshape(n, d // 32, 2, L).swapaxes(2, 3)
          .reshape(n, d // 2, 2).astype(jnp.bfloat16))
    return jax.lax.bitcast_convert_type(Rb, jnp.int32)


@jax.jit
def _score(s, r, o, E_re, E_im, R_re, R_im):
    R_cat = jnp.concatenate(
        [_swizzle_bf16(R_re), _swizzle_bf16(R_im)], axis=1)
    mesh = plsc.VectorSubcoreMesh(core_axis_name="c", subcore_axis_name="s")
    f = functools.partial(
        pl.kernel,
        out_type=jax.ShapeDtypeStruct((B,), jnp.float32),
        mesh=mesh,
        compiler_params=pltpu.CompilerParams(
            needs_layout_passes=False,
            disable_bounds_checks=True,
            disable_semaphore_checks=True,
            skip_device_barrier=True,
        ),
        scratch_types=[
            pltpu.VMEM((BPW,), jnp.int32),
            pltpu.VMEM((BPW,), jnp.int32),
            pltpu.VMEM((BPW,), jnp.int32),
            pltpu.VMEM((NBUF, CHUNK, D), jnp.float32),
            pltpu.VMEM((NBUF, CHUNK, D), jnp.float32),
            pltpu.VMEM((NBUF, CHUNK, D), jnp.float32),
            pltpu.VMEM((NBUF, CHUNK, D), jnp.float32),
            pltpu.VMEM((NBUF, CHUNK, D), jnp.int32),
            pltpu.VMEM((BPW,), jnp.float32),
            pltpu.SemaphoreType.DMA((NBUF,)),
        ],
    )(_body)
    return f(s, r, o, E_re, E_im, R_cat)


def kernel(s, r, o, t, E_re, E_im, R_re, R_im):
    del t
    return _score(s, r, o, E_re, E_im, R_re, R_im)

# --- scband reference (transcript-rebuilt; emitter-appended) ---
"""Pipeline reference for scband-complex-69002944577713 (READ-ONLY COPY).

The authoritative reference and input builder live on the scoring server;
editing this copy changes nothing except your own understanding.
"""

import jax, jax.numpy as jnp
import numpy as np

ENTITY_COUNT = 100000
RELATION_COUNT = 1000
EMBED_DIM = 128
BATCH = 16384


def setup_inputs(seed: int = 0) -> dict:
    key = jax.random.key(seed)
    ks = jax.random.split(key, 8)
    s = jax.random.randint(ks[0], (BATCH,), 0, ENTITY_COUNT, dtype=jnp.int32)
    r = jax.random.randint(ks[1], (BATCH,), 0, RELATION_COUNT, dtype=jnp.int32)
    o = jax.random.randint(ks[2], (BATCH,), 0, ENTITY_COUNT, dtype=jnp.int32)
    t = jax.random.randint(ks[3], (BATCH,), 0, 366, dtype=jnp.int32)
    # learned parameters, init N(0, 0.05) as in the torch module
    E_re = jax.random.normal(ks[4], (ENTITY_COUNT, EMBED_DIM), dtype=jnp.float32) * 0.05
    E_im = jax.random.normal(ks[5], (ENTITY_COUNT, EMBED_DIM), dtype=jnp.float32) * 0.05
    R_re = jax.random.normal(ks[6], (RELATION_COUNT, EMBED_DIM), dtype=jnp.float32) * 0.05
    R_im = jax.random.normal(ks[7], (RELATION_COUNT, EMBED_DIM), dtype=jnp.float32) * 0.05
    return {"s": s, "r": r, "o": o, "t": t,
            "E_re": E_re, "E_im": E_im, "R_re": R_re, "R_im": R_im}


def reference(s, r, o, t, E_re, E_im, R_re, R_im):
    # s and o are both provided with the same shape -> complex_3way_simple path
    s_re = jnp.take(E_re, s, axis=0)
    s_im = jnp.take(E_im, s, axis=0)
    r_re = jnp.take(R_re, r, axis=0)
    r_im = jnp.take(R_im, r, axis=0)
    o_re = jnp.take(E_re, o, axis=0)
    o_im = jnp.take(E_im, o, axis=0)
    # ComplEx score: Re(<s, r, conj(o)>)
    score = (s_re * (r_re * o_re + r_im * o_im)
             + s_im * (r_re * o_im - r_im * o_re)).sum(axis=-1)
    return score

if __name__ == "__main__":
    import jax
    _d = setup_inputs()
    print(jax.jit(kernel)(*tuple(_d.values())))

</pallas_src>

<mosaic_0001>
#map = affine_map<(d0, d1) -> (0)>
#map1 = affine_map<(d0, d1) -> (0, 0)>
module attributes {stable_mosaic.version = 14 : i64} {
  func.func @_body(%arg0: i32, %arg1: i32, %arg2: memref<16384xi32, #tpu.memory_space<hbm>>, %arg3: memref<16384xi32, #tpu.memory_space<hbm>>, %arg4: memref<16384xi32, #tpu.memory_space<hbm>>, %arg5: memref<100000x128xf32, #tpu.memory_space<hbm>>, %arg6: memref<100000x128xf32, #tpu.memory_space<hbm>>, %arg7: memref<1000x128xi32, #tpu.memory_space<hbm>>, %arg8: memref<16384xf32, #tpu.memory_space<hbm>>, %arg9: memref<512xi32, #tpu.memory_space<vmem>>, %arg10: memref<512xi32, #tpu.memory_space<vmem>>, %arg11: memref<512xi32, #tpu.memory_space<vmem>>, %arg12: memref<6x32x128xf32, #tpu.memory_space<vmem>>, %arg13: memref<6x32x128xf32, #tpu.memory_space<vmem>>, %arg14: memref<6x32x128xf32, #tpu.memory_space<vmem>>, %arg15: memref<6x32x128xf32, #tpu.memory_space<vmem>>, %arg16: memref<6x32x128xi32, #tpu.memory_space<vmem>>, %arg17: memref<512xf32, #tpu.memory_space<vmem>>, %arg18: memref<6x!tpu.dma_semaphore, #tpu.memory_space<semaphore_mem>>) attributes {dimension_semantics = [#tpu.dimension_semantics<core_parallel>, #tpu.dimension_semantics<subcore_parallel>], iteration_bounds = array<i64: 2, 16>, scalar_prefetch = 0 : i64, scratch_operands = 10 : i64, tpu.core_type = #tpu.core_type<sc_vector_subcore>, window_params = [{transform_indices = #map}, {transform_indices = #map}, {transform_indices = #map}, {transform_indices = #map1}, {transform_indices = #map1}, {transform_indices = #map1}, {transform_indices = #map}]} {
    %mul3A = arith.constant 2 : i32
    %mul3A_0 = arith.muli %arg1, %mul3A : i32
    %add3A = arith.addi %mul3A_0, %arg0 : i32
    %mul3A_1 = arith.constant 512 : i32
    %mul3A_2 = arith.muli %add3A, %mul3A_1 : i32
    %dma_start3A = arith.constant 0 : i32
    %dma_start3A_3 = tpu.memref_slice %arg2[%mul3A_2] : memref<16384xi32, #tpu.memory_space<hbm>> -> memref<512xi32, #tpu.memory_space<hbm>>
    %dma_start3A_4 = tpu.memref_slice %arg18[%dma_start3A] : memref<6x!tpu.dma_semaphore, #tpu.memory_space<semaphore_mem>> -> memref<1x!tpu.dma_semaphore, #tpu.memory_space<semaphore_mem>>
    %dma_start3A_5 = tpu.memref_squeeze %dma_start3A_4 : memref<1x!tpu.dma_semaphore, #tpu.memory_space<semaphore_mem>> -> memref<!tpu.dma_semaphore, #tpu.memory_space<semaphore_mem>>
    %dma_start3A_6 = tpu.memref_slice %arg2[%mul3A_2] : memref<16384xi32, #tpu.memory_space<hbm>> -> memref<512xi32, #tpu.memory_space<hbm>>
    tpu.enqueue_dma source(%dma_start3A_6 : memref<512xi32, #tpu.memory_space<hbm>>) target(%arg9 : memref<512xi32, #tpu.memory_space<vmem>>) target_semaphore(%dma_start3A_5 : memref<!tpu.dma_semaphore, #tpu.memory_space<semaphore_mem>>)
    %dma_start3A_7 = arith.constant 0 : i32
    %dma_start3A_8 = tpu.memref_slice %arg3[%mul3A_2] : memref<16384xi32, #tpu.memory_space<hbm>> -> memref<512xi32, #tpu.memory_space<hbm>>
    %dma_start3A_9 = tpu.memref_slice %arg18[%dma_start3A_7] : memref<6x!tpu.dma_semaphore, #tpu.memory_space<semaphore_mem>> -> memref<1x!tpu.dma_semaphore, #tpu.memory_space<semaphore_mem>>
    %dma_start3A_10 = tpu.memref_squeeze %dma_start3A_9 : memref<1x!tpu.dma_semaphore, #tpu.memory_space<semaphore_mem>> -> memref<!tpu.dma_semaphore, #tpu.memory_space<semaphore_mem>>
    %dma_start3A_11 = tpu.memref_slice %arg3[%mul3A_2] : memref<16384xi32, #tpu.memory_space<hbm>> -> memref<512xi32, #tpu.memory_space<hbm>>
    tpu.enqueue_dma source(%dma_start3A_11 : memref<512xi32, #tpu.memory_space<hbm>>) target(%arg10 : memref<512xi32, #tpu.memory_space<vmem>>) target_semaphore(%dma_start3A_10 : memref<!tpu.dma_semaphore, #tpu.memory_space<semaphore_mem>>)
    %dma_start3A_12 = arith.constant 0 : i32
    %dma_start3A_13 = tpu.memref_slice %arg4[%mul3A_2] : memref<16384xi32, #tpu.memory_space<hbm>> -> memref<512xi32, #tpu.memory_space<hbm>>
    %dma_start3A_14 = tpu.memref_slice %arg18[%dma_start3A_12] : memref<6x!tpu.dma_semaphore, #tpu.memory_space<semaphore_mem>> -> memref<1x!tpu.dma_semaphore, #tpu.memory_space<semaphore_mem>>
    %dma_start3A_15 = tpu.memref_squeeze %dma_start3A_14 : memref<1x!tpu.dma_semaphore, #tpu.memory_space<semaphore_mem>> -> memref<!tpu.dma_semaphore, #tpu.memory_space<semaphore_mem>>
    %dma_start3A_16 = tpu.memref_slice %arg4[%mul3A_2] : memref<16384xi32, #tpu.memory_space<hbm>> -> memref<512xi32, #tpu.memory_space<hbm>>
    tpu.enqueue_dma source(%dma_start3A_16 : memref<512xi32, #tpu.memory_space<hbm>>) target(%arg11 : memref<512xi32, #tpu.memory_space<vmem>>) target_semaphore(%dma_start3A_15 : memref<!tpu.dma_semaphore, #tpu.memory_space<semaphore_mem>>)
    %dma_wait3A = arith.constant 0 : i32
    %dma_wait3A_17 = tpu.memref_slice %arg2[%mul3A_2] : memref<16384xi32, #tpu.memory_space<hbm>> -> memref<512xi32, #tpu.memory_space<hbm>>
    %dma_wait3A_18 = tpu.memref_slice %arg18[%dma_wait3A] : memref<6x!tpu.dma_semaphore, #tpu.memory_space<semaphore_mem>> -> memref<1x!tpu.dma_semaphore, #tpu.memory_space<semaphore_mem>>
    %dma_wait3A_19 = tpu.memref_squeeze %dma_wait3A_18 : memref<1x!tpu.dma_semaphore, #tpu.memory_space<semaphore_mem>> -> memref<!tpu.dma_semaphore, #tpu.memory_space<semaphore_mem>>
    %dma_wait3A_20 = tpu.memref_slice %arg2[%mul3A_2] : memref<16384xi32, #tpu.memory_space<hbm>> -> memref<512xi32, #tpu.memory_space<hbm>>
    tpu.wait_dma2 semaphore(%dma_wait3A_19 : memref<!tpu.dma_semaphore, #tpu.memory_space<semaphore_mem>>) src(%dma_wait3A_20 : memref<512xi32, #tpu.memory_space<hbm>>) dst(%arg9 : memref<512xi32, #tpu.memory_space<vmem>>)
    %dma_wait3A_21 = arith.constant 0 : i32
    %dma_wait3A_22 = tpu.memref_slice %arg3[%mul3A_2] : memref<16384xi32, #tpu.memory_space<hbm>> -> memref<512xi32, #tpu.memory_space<hbm>>
    %dma_wait3A_23 = tpu.memref_slice %arg18[%dma_wait3A_21] : memref<6x!tpu.dma_semaphore, #tpu.memory_space<semaphore_mem>> -> memref<1x!tpu.dma_semaphore, #tpu.memory_space<semaphore_mem>>
    %dma_wait3A_24 = tpu.memref_squeeze %dma_wait3A_23 : memref<1x!tpu.dma_semaphore, #tpu.memory_space<semaphore_mem>> -> memref<!tpu.dma_semaphore, #tpu.memory_space<semaphore_mem>>
    %dma_wait3A_25 = tpu.memref_slice %arg3[%mul3A_2] : memref<16384xi32, #tpu.memory_space<hbm>> -> memref<512xi32, #tpu.memory_space<hbm>>
    tpu.wait_dma2 semaphore(%dma_wait3A_24 : memref<!tpu.dma_semaphore, #tpu.memory_space<semaphore_mem>>) src(%dma_wait3A_25 : memref<512xi32, #tpu.memory_space<hbm>>) dst(%arg10 : memref<512xi32, #tpu.memory_space<vmem>>)
    %dma_wait3A_26 = arith.constant 0 : i32
    %dma_wait3A_27 = tpu.memref_slice %arg4[%mul3A_2] : memref<16384xi32, #tpu.memory_space<hbm>> -> memref<512xi32, #tpu.memory_space<hbm>>
    %dma_wait3A_28 = tpu.memref_slice %arg18[%dma_wait3A_26] : memref<6x!tpu.dma_semaphore, #tpu.memory_space<semaphore_mem>> -> memref<1x!tpu.dma_semaphore, #tpu.memory_space<semaphore_mem>>
    %dma_wait3A_29 = tpu.memref_squeeze %dma_wait3A_28 : memref<1x!tpu.dma_semaphore, #tpu.memory_space<semaphore_mem>> -> memref<!tpu.dma_semaphore, #tpu.memory_space<semaphore_mem>>
    %dma_wait3A_30 = tpu.memref_slice %arg4[%mul3A_2] : memref<16384xi32, #tpu.memory_space<hbm>> -> memref<512xi32, #tpu.memory_space<hbm>>
    tpu.wait_dma2 semaphore(%dma_wait3A_29 : memref<!tpu.dma_semaphore, #tpu.memory_space<semaphore_mem>>) src(%dma_wait3A_30 : memref<512xi32, #tpu.memory_space<hbm>>) dst(%arg11 : memref<512xi32, #tpu.memory_space<vmem>>)
    %iota3A = tpu.iota {dimensions = array<i32: 0>} : vector<16xi32>
    %dma_start3A_31 = arith.constant 0 : i32
    %dma_start3A_32 = arith.constant 0 : i32
    %dma_start3A_33 = arith.constant 0 : i32
    %dma_start3A_34 = arith.constant 0 : i32
    %dma_start3A_35 = tpu.memref_slice %arg12[%dma_start3A_31, %dma_start3A_33, %dma_start3A_34] : memref<6x32x128xf32, #tpu.memory_space<vmem>> -> memref<1x32x128xf32, #tpu.memory_space<vmem>>
    %dma_start3A_36 = tpu.memref_squeeze %dma_start3A_35 : memref<1x32x128xf32, #tpu.memory_space<vmem>> -> memref<32x128xf32, #tpu.memory_space<vmem>>
    %dma_start3A_37 = arith.constant 0 : i32
    %dma_start3A_38 = tpu.memref_slice %arg9[%dma_start3A_37] : memref<512xi32, #tpu.memory_space<vmem>> -> memref<32xi32, #tpu.memory_space<vmem>>
    %dma_start3A_39 = arith.constant 0 : i32
    %dma_start3A_40 = arith.constant 0 : i32
    %dma_start3A_41 = tpu.memref_slice %arg5[%dma_start3A_39, %dma_start3A_40] : memref<100000x128xf32, #tpu.memory_space<hbm>> -> memref<100000x128xf32, #tpu.memory_space<hbm>>
    %dma_start3A_42 = tpu.memref_slice %arg18[%dma_start3A_32] : memref<6x!tpu.dma_semaphore, #tpu.memory_space<semaphore_mem>> -> memref<1x!tpu.dma_semaphore, #tpu.memory_space<semaphore_mem>>
    %dma_start3A_43 = tpu.memref_squeeze %dma_start3A_42 : memref<1x!tpu.dma_semaphore, #tpu.memory_space<semaphore_mem>> -> memref<!tpu.dma_semaphore, #tpu.memory_space<semaphore_mem>>
    tpu.enqueue_indirect_dma source(%dma_start3A_41 : memref<100000x128xf32, #tpu.memory_space<hbm>>) target(%dma_start3A_36 : memref<32x128xf32, #tpu.memory_space<vmem>>) offsets(%dma_start3A_38 : memref<32xi32, #tpu.memory_space<vmem>>) semaphore(%dma_start3A_43 : memref<!tpu.dma_semaphore, #tpu.memory_space<semaphore_mem>>)
    %dma_start3A_44 = arith.constant 0 : i32
    %dma_start3A_45 = arith.constant 0 : i32
    %dma_start3A_46 = arith.constant 0 : i32
    %dma_start3A_47 = arith.constant 0 : i32
    %dma_start3A_48 = tpu.memref_slice %arg13[%dma_start3A_44, %dma_start3A_46, %dma_start3A_47] : memref<6x32x128xf32, #tpu.memory_space<vmem>> -> memref<1x32x128xf32, #tpu.memory_space<vmem>>
    %dma_start3A_49 = tpu.memref_squeeze %dma_start3A_48 : memref<1x32x128xf32, #tpu.memory_space<vmem>> -> memref<32x128xf32, #tpu.memory_space<vmem>>
    %dma_start3A_50 = arith.constant 0 : i32
    %dma_start3A_51 = tpu.memref_slice %arg9[%dma_start3A_50] : memref<512xi32, #tpu.memory_space<vmem>> -> memref<32xi32, #tpu.memory_space<vmem>>
    %dma_start3A_52 = arith.constant 0 : i32
    %dma_start3A_53 = arith.constant 0 : i32
    %dma_start3A_54 = tpu.memref_slice %arg6[%dma_start3A_52, %dma_start3A_53] : memref<100000x128xf32, #tpu.memory_space<hbm>> -> memref<100000x128xf32, #tpu.memory_space<hbm>>
    %dma_start3A_55 = tpu.memref_slice %arg18[%dma_start3A_45] : memref<6x!tpu.dma_semaphore, #tpu.memory_space<semaphore_mem>> -> memref<1x!tpu.dma_semaphore, #tpu.memory_space<semaphore_mem>>
    %dma_start3A_56 = tpu.memref_squeeze %dma_start3A_55 : memref<1x!tpu.dma_semaphore, #tpu.memory_space<semaphore_mem>> -> memref<!tpu.dma_semaphore, #tpu.memory_space<semaphore_mem>>
    tpu.enqueue_indirect_dma source(%dma_start3A_54 : memref<100000x128xf32, #tpu.memory_space<hbm>>) target(%dma_start3A_49 : memref<32x128xf32, #tpu.memory_space<vmem>>) offsets(%dma_start3A_51 : memref<32xi32, #tpu.memory_space<vmem>>) semaphore(%dma_start3A_56 : memref<!tpu.dma_semaphore, #tpu.memory_space<semaphore_mem>>)
    %dma_start3A_57 = arith.constant 0 : i32
    %dma_start3A_58 = arith.constant 0 : i32
    %dma_start3A_59 = arith.constant 0 : i32
    %dma_start3A_60 = arith.constant 0 : i32
    %dma_start3A_61 = tpu.memref_slice %arg14[%dma_start3A_57, %dma_start3A_59, %dma_start3A_60] : memref<6x32x128xf32, #tpu.memory_space<vmem>> -> memref<1x32x128xf32, #tpu.memory_space<vmem>>
    %dma_start3A_62 = tpu.memref_squeeze %dma_start3A_61 : memref<1x32x128xf32, #tpu.memory_space<vmem>> -> memref<32x128xf32, #tpu.memory_space<vmem>>
    %dma_start3A_63 = arith.constant 0 : i32
    %dma_start3A_64 = tpu.memref_slice %arg11[%dma_start3A_63] : memref<512xi32, #tpu.memory_space<vmem>> -> memref<32xi32, #tpu.memory_space<vmem>>
    %dma_start3A_65 = arith.constant 0 : i32
    %dma_start3A_66 = arith.constant 0 : i32
    %dma_start3A_67 = tpu.memref_slice %arg5[%dma_start3A_65, %dma_start3A_66] : memref<100000x128xf32, #tpu.memory_space<hbm>> -> memref<100000x128xf32, #tpu.memory_space<hbm>>
    %dma_start3A_68 = tpu.memref_slice %arg18[%dma_start3A_58] : memref<6x!tpu.dma_semaphore, #tpu.memory_space<semaphore_mem>> -> memref<1x!tpu.dma_semaphore, #tpu.memory_space<semaphore_mem>>
    %dma_start3A_69 = tpu.memref_squeeze %dma_start3A_68 : memref<1x!tpu.dma_semaphore, #tpu.memory_space<semaphore_mem>> -> memref<!tpu.dma_semaphore, #tpu.memory_space<semaphore_mem>>
    tpu.enqueue_indirect_dma source(%dma_start3A_67 : memref<100000x128xf32, #tpu.memory_space<hbm>>) target(%dma_start3A_62 : memref<32x128xf32, #tpu.memory_space<vmem>>) offsets(%dma_start3A_64 : memref<32xi32, #tpu.memory_space<vmem>>) semaphore(%dma_start3A_69 : memref<!tpu.dma_semaphore, #tpu.memory_space<semaphore_mem>>)
    %dma_start3A_70 = arith.constant 0 : i32
    %dma_start3A_71 = arith.constant 0 : i32
    %dma_start3A_72 = arith.constant 0 : i32
    %dma_start3A_73 = arith.constant 0 : i32
    %dma_start3A_74 = tpu.memref_slice %arg15[%dma_start3A_70, %dma_start3A_72, %dma_start3A_73] : memref<6x32x128xf32, #tpu.memory_space<vmem>> -> memref<1x32x128xf32, #tpu.memory_space<vmem>>
    %dma_start3A_75 = tpu.memref_squeeze %dma_start3A_74 : memref<1x32x128xf32, #tpu.memory_space<vmem>> -> memref<32x128xf32, #tpu.memory_space<vmem>>
    %dma_start3A_76 = arith.constant 0 : i32
    %dma_start3A_77 = tpu.memref_slice %arg11[%dma_start3A_76] : memref<512xi32, #tpu.memory_space<vmem>> -> memref<32xi32, #tpu.memory_space<vmem>>
    %dma_start3A_78 = arith.constant 0 : i32
    %dma_start3A_79 = arith.constant 0 : i32
    %dma_start3A_80 = tpu.memref_slice %arg6[%dma_start3A_78, %dma_start3A_79] : memref<100000x128xf32, #tpu.memory_space<hbm>> -> memref<100000x128xf32, #tpu.memory_space<hbm>>
    %dma_start3A_81 = tpu.memref_slice %arg18[%dma_start3A_71] : memref<6x!tpu.dma_semaphore, #tpu.memory_space<semaphore_mem>> -> memref<1x!tpu.dma_semaphore, #tpu.memory_space<semaphore_mem>>
    %dma_start3A_82 = tpu.memref_squeeze %dma_start3A_81 : memref<1x!tpu.dma_semaphore, #tpu.memory_space<semaphore_mem>> -> memref<!tpu.dma_semaphore, #tpu.memory_space<semaphore_mem>>
    tpu.enqueue_indirect_dma source(%dma_start3A_80 : memref<100000x128xf32, #tpu.memory_space<hbm>>) target(%dma_start3A_75 : memref<32x128xf32, #tpu.memory_space<vmem>>) offsets(%dma_start3A_77 : memref<32xi32, #tpu.memory_space<vmem>>) semaphore(%dma_start3A_82 : memref<!tpu.dma_semaphore, #tpu.memory_space<semaphore_mem>>)
    %dma_start3A_83 = arith.constant 0 : i32
    %dma_start3A_84 = arith.constant 0 : i32
    %dma_start3A_85 = arith.constant 0 : i32
    %dma_start3A_86 = arith.constant 0 : i32
    %dma_start3A_87 = tpu.memref_slice %arg16[%dma_start3A_83, %dma_start3A_85, %dma_start3A_86] : memref<6x32x128xi32, #tpu.memory_space<vmem>> -> memref<1x32x128xi32, #tpu.memory_space<vmem>>
    %dma_start3A_88 = tpu.memref_squeeze %dma_start3A_87 : memref<1x32x128xi32, #tpu.memory_space<vmem>> -> memref<32x128xi32, #tpu.memory_space<vmem>>
    %dma_start3A_89 = arith.constant 0 : i32
    %dma_start3A_90 = tpu.memref_slice %arg10[%dma_start3A_89] : memref<512xi32, #tpu.memory_space<vmem>> -> memref<32xi32, #tpu.memory_space<vmem>>
    %dma_start3A_91 = arith.constant 0 : i32
    %dma_start3A_92 = arith.constant 0 : i32
    %dma_start3A_93 = tpu.memref_slice %arg7[%dma_start3A_91, %dma_start3A_92] : memref<1000x128xi32, #tpu.memory_space<hbm>> -> memref<1000x128xi32, #tpu.memory_space<hbm>>
    %dma_start3A_94 = tpu.memref_slice %arg18[%dma_start3A_84] : memref<6x!tpu.dma_semaphore, #tpu.memory_space<semaphore_mem>> -> memref<1x!tpu.dma_semaphore, #tpu.memory_space<semaphore_mem>>
    %dma_start3A_95 = tpu.memref_squeeze %dma_start3A_94 : memref<1x!tpu.dma_semaphore, #tpu.memory_space<semaphore_mem>> -> memref<!tpu.dma_semaphore, #tpu.memory_space<semaphore_mem>>
    tpu.enqueue_indirect_dma source(%dma_start3A_93 : memref<1000x128xi32, #tpu.memory_space<hbm>>) target(%dma_start3A_88 : memref<32x128xi32, #tpu.memory_space<vmem>>) offsets(%dma_start3A_90 : memref<32xi32, #tpu.memory_space<vmem>>) semaphore(%dma_start3A_95 : memref<!tpu.dma_semaphore, #tpu.memory_space<semaphore_mem>>)
    %dma_start3A_96 = arith.constant 1 : i32
    %dma_start3A_97 = arith.constant 1 : i32
    %dma_start3A_98 = arith.constant 0 : i32
    %dma_start3A_99 = arith.constant 0 : i32
    %dma_start3A_100 = tpu.memref_slice %arg12[%dma_start3A_96, %dma_start3A_98, %dma_start3A_99] : memref<6x32x128xf32, #tpu.memory_space<vmem>> -> memref<1x32x128xf32, #tpu.memory_space<vmem>>
    %dma_start3A_101 = tpu.memref_squeeze %dma_start3A_100 : memref<1x32x128xf32, #tpu.memory_space<vmem>> -> memref<32x128xf32, #tpu.memory_space<vmem>>
    %dma_start3A_102 = arith.constant 32 : i32
    %dma_start3A_103 = tpu.memref_slice %arg9[%dma_start3A_102] : memref<512xi32, #tpu.memory_space<vmem>> -> memref<32xi32, #tpu.memory_space<vmem>>
    %dma_start3A_104 = arith.constant 0 : i32
    %dma_start3A_105 = arith.constant 0 : i32
    %dma_start3A_106 = tpu.memref_slice %arg5[%dma_start3A_104, %dma_start3A_105] : memref<100000x128xf32, #tpu.memory_space<hbm>> -> memref<100000x128xf32, #tpu.memory_space<hbm>>
    %dma_start3A_107 = tpu.memref_slice %arg18[%dma_start3A_97] : memref<6x!tpu.dma_semaphore, #tpu.memory_space<semaphore_mem>> -> memref<1x!tpu.dma_semaphore, #tpu.memory_space<semaphore_mem>>
    %dma_start3A_108 = tpu.memref_squeeze %dma_start3A_107 : memref<1x!tpu.dma_semaphore, #tpu.memory_space<semaphore_mem>> -> memref<!tpu.dma_semaphore, #tpu.memory_space<semaphore_mem>>
    tpu.enqueue_indirect_dma source(%dma_start3A_106 : memref<100000x128xf32, #tpu.memory_space<hbm>>) target(%dma_start3A_101 : memref<32x128xf32, #tpu.memory_space<vmem>>) offsets(%dma_start3A_103 : memref<32xi32, #tpu.memory_space<vmem>>) semaphore(%dma_start3A_108 : memref<!tpu.dma_semaphore, #tpu.memory_space<semaphore_mem>>)
    %dma_start3A_109 = arith.constant 1 : i32
    %dma_start3A_110 = arith.constant 1 : i32
    %dma_start3A_111 = arith.constant 0 : i32
    %dma_start3A_112 = arith.constant 0 : i32
    %dma_start3A_113 = tpu.memref_slice %arg13[%dma_start3A_109, %dma_start3A_111, %dma_start3A_112] : memref<6x32x128xf32, #tpu.memory_space<vmem>> -> memref<1x32x128xf32, #tpu.memory_space<vmem>>
    %dma_start3A_114 = tpu.memref_squeeze %dma_start3A_113 : memref<1x32x128xf32, #tpu.memory_space<vmem>> -> memref<32x128xf32, #tpu.memory_space<vmem>>
    %dma_start3A_115 = arith.constant 32 : i32
    %dma_start3A_116 = tpu.memref_slice %arg9[%dma_start3A_115] : memref<512xi32, #tpu.memory_space<vmem>> -> memref<32xi32, #tpu.memory_space<vmem>>
    %dma_start3A_117 = arith.constant 0 : i32
    %dma_start3A_118 = arith.constant 0 : i32
    %dma_start3A_119 = tpu.memref_slice %arg6[%dma_start3A_117, %dma_start3A_118] : memref<100000x128xf32, #tpu.memory_space<hbm>> -> memref<100000x128xf32, #tpu.memory_space<hbm>>
    %dma_start3A_120 = tpu.memref_slice %arg18[%dma_start3A_110] : memref<6x!tpu.dma_semaphore, #tpu.memory_space<semaphore_mem>> -> memref<1x!tpu.dma_semaphore, #tpu.memory_space<semaphore_mem>>
    %dma_start3A_121 = tpu.memref_squeeze %dma_start3A_120 : memref<1x!tpu.dma_semaphore, #tpu.memory_space<semaphore_mem>> -> memref<!tpu.dma_semaphore, #tpu.memory_space<semaphore_mem>>
    tpu.enqueue_indirect_dma source(%dma_start3A_119 : memref<100000x128xf32, #tpu.memory_space<hbm>>) target(%dma_start3A_114 : memref<32x128xf32, #tpu.memory_space<vmem>>) offsets(%dma_start3A_116 : memref<32xi32, #tpu.memory_space<vmem>>) semaphore(%dma_start3A_121 : memref<!tpu.dma_semaphore, #tpu.memory_space<semaphore_mem>>)
    %dma_start3A_122 = arith.constant 1 : i32
    %dma_start3A_123 = arith.constant 1 : i32
    %dma_start3A_124 = arith.constant 0 : i32
    %dma_start3A_125 = arith.constant 0 : i32
    %dma_start3A_126 = tpu.memref_slice %arg14[%dma_start3A_122, %dma_start3A_124, %dma_start3A_125] : memref<6x32x128xf32, #tpu.memory_space<vmem>> -> memref<1x32x128xf32, #tpu.memory_space<vmem>>
    %dma_start3A_127 = tpu.memref_squeeze %dma_start3A_126 : memref<1x32x128xf32, #tpu.memory_space<vmem>> -> memref<32x128xf32, #tpu.memory_space<vmem>>
    %dma_start3A_128 = arith.constant 32 : i32
    %dma_start3A_129 = tpu.memref_slice %arg11[%dma_start3A_128] : memref<512xi32, #tpu.memory_space<vmem>> -> memref<32xi32, #tpu.memory_space<vmem>>
    %dma_start3A_130 = arith.constant 0 : i32
    %dma_start3A_131 = arith.constant 0 : i32
    %dma_start3A_132 = tpu.memref_slice %arg5[%dma_start3A_130, %dma_start3A_131] : memref<100000x128xf32, #tpu.memory_space<hbm>> -> memref<100000x128xf32, #tpu.memory_space<hbm>>
    %dma_start3A_133 = tpu.memref_slice %arg18[%dma_start3A_123] : memref<6x!tpu.dma_semaphore, #tpu.memory_space<semaphore_mem>> -> memref<1x!tpu.dma_semaphore, #tpu.memory_space<semaphore_mem>>
    %dma_start3A_134 = tpu.memref_squeeze %dma_start3A_133 : memref<1x!tpu.dma_semaphore, #tpu.memory_space<semaphore_mem>> -> memref<!tpu.dma_semaphore, #tpu.memory_space<semaphore_mem>>
    tpu.enqueue_indirect_dma source(%dma_start3A_132 : memref<100000x128xf32, #tpu.memory_space<hbm>>) target(%dma_start3A_127 : memref<32x128xf32, #tpu.memory_space<vmem>>) offsets(%dma_start3A_129 : memref<32xi32, #tpu.memory_space<vmem>>) semaphore(%dma_start3A_134 : memref<!tpu.dma_semaphore, #tpu.memory_space<semaphore_mem>>)
    %dma_start3A_135 = arith.constant 1 : i32
    %dma_start3A_136 = arith.constant 1 : i32
    %dma_start3A_137 = arith.constant 0 : i32
    %dma_start3A_138 = arith.constant 0 : i32
    %dma_start3A_139 = tpu.memref_slice %arg15[%dma_start3A_135, %dma_start3A_137, %dma_start3A_138] : memref<6x32x128xf32, #tpu.memory_space<vmem>> -> memref<1x32x128xf32, #tpu.memory_space<vmem>>
    %dma_start3A_140 = tpu.memref_squeeze %dma_start3A_139 : memref<1x32x128xf32, #tpu.memory_space<vmem>> -> memref<32x128xf32, #tpu.memory_space<vmem>>
    %dma_start3A_141 = arith.constant 32 : i32
    %dma_start3A_142 = tpu.memref_slice %arg11[%dma_start3A_141] : memref<512xi32, #tpu.memory_space<vmem>> -> memref<32xi32, #tpu.memory_space<vmem>>
    %dma_start3A_143 = arith.constant 0 : i32
    %dma_start3A_144 = arith.constant 0 : i32
    %dma_start3A_145 = tpu.memref_slice %arg6[%dma_start3A_143, %dma_start3A_144] : memref<100000x128xf32, #tpu.memory_space<hbm>> -> memref<100000x128xf32, #tpu.memory_space<hbm>>
    %dma_start3A_146 = tpu.memref_slice %arg18[%dma_start3A_136] : memref<6x!tpu.dma_semaphore, #tpu.memory_space<semaphore_mem>> -> memref<1x!tpu.dma_semaphore, #tpu.memory_space<semaphore_mem>>
    %dma_start3A_147 = tpu.memref_squeeze %dma_start3A_146 : memref<1x!tpu.dma_semaphore, #tpu.memory_space<semaphore_mem>> -> memref<!tpu.dma_semaphore, #tpu.memory_space<semaphore_mem>>
    tpu.enqueue_indirect_dma source(%dma_start3A_145 : memref<100000x128xf32, #tpu.memory_space<hbm>>) target(%dma_start3A_140 : memref<32x128xf32, #tpu.memory_space<vmem>>) offsets(%dma_start3A_142 : memref<32xi32, #tpu.memory_space<vmem>>) semaphore(%dma_start3A_147 : memref<!tpu.dma_semaphore, #tpu.memory_space<semaphore_mem>>)
    %dma_start3A_148 = arith.constant 1 : i32
    %dma_start3A_149 = arith.constant 1 : i32
    %dma_start3A_150 = arith.constant 0 : i32
    %dma_start3A_151 = arith.constant 0 : i32
    %dma_start3A_152 = tpu.memref_slice %arg16[%dma_start3A_148, %dma_start3A_150, %dma_start3A_151] : memref<6x32x128xi32, #tpu.memory_space<vmem>> -> memref<1x32x128xi32, #tpu.memory_space<vmem>>
    %dma_start3A_153 = tpu.memref_squeeze %dma_start3A_152 : memref<1x32x128xi32, #tpu.memory_space<vmem>> -> memref<32x128xi32, #tpu.memory_space<vmem>>
    %dma_start3A_154 = arith.constant 32 : i32
    %dma_start3A_155 = tpu.memref_slice %arg10[%dma_start3A_154] : memref<512xi32, #tpu.memory_space<vmem>> -> memref<32xi32, #tpu.memory_space<vmem>>
    %dma_start3A_156 = arith.constant 0 : i32
    %dma_start3A_157 = arith.constant 0 : i32
    %dma_start3A_158 = tpu.memref_slice %arg7[%dma_start3A_156, %dma_start3A_157] : memref<1000x128xi32, #tpu.memory_space<hbm>> -> memref<1000x128xi32, #tpu.memory_space<hbm>>
    %dma_start3A_159 = tpu.memref_slice %arg18[%dma_start3A_149] : memref<6x!tpu.dma_semaphore, #tpu.memory_space<semaphore_mem>> -> memref<1x!tpu.dma_semaphore, #tpu.memory_space<semaphore_mem>>
    %dma_start3A_160 = tpu.memref_squeeze %dma_start3A_159 : memref<1x!tpu.dma_semaphore, #tpu.memory_space<semaphore_mem>> -> memref<!tpu.dma_semaphore, #tpu.memory_space<semaphore_mem>>
    tpu.enqueue_indirect_dma source(%dma_start3A_158 : memref<1000x128xi32, #tpu.memory_space<hbm>>) target(%dma_start3A_153 : memref<32x128xi32, #tpu.memory_space<vmem>>) offsets(%dma_start3A_155 : memref<32xi32, #tpu.memory_space<vmem>>) semaphore(%dma_start3A_160 : memref<!tpu.dma_semaphore, #tpu.memory_space<semaphore_mem>>)
    %dma_start3A_161 = arith.constant 2 : i32
    %dma_start3A_162 = arith.constant 2 : i32
    %dma_start3A_163 = arith.constant 0 : i32
    %dma_start3A_164 = arith.constant 0 : i32
    %dma_start3A_165 = tpu.memref_slice %arg12[%dma_start3A_161, %dma_start3A_163, %dma_start3A_164] : memref<6x32x128xf32, #tpu.memory_space<vmem>> -> memref<1x32x128xf32, #tpu.memory_space<vmem>>
    %dma_start3A_166 = tpu.memref_squeeze %dma_start3A_165 : memref<1x32x128xf32, #tpu.memory_space<vmem>> -> memref<32x128xf32, #tpu.memory_space<vmem>>
    %dma_start3A_167 = arith.constant 64 : i32
    %dma_start3A_168 = tpu.memref_slice %arg9[%dma_start3A_167] : memref<512xi32, #tpu.memory_space<vmem>> -> memref<32xi32, #tpu.memory_space<vmem>>
    %dma_start3A_169 = arith.constant 0 : i32
    %dma_start3A_170 = arith.constant 0 : i32
    %dma_start3A_171 = tpu.memref_slice %arg5[%dma_start3A_169, %dma_start3A_170] : memref<100000x128xf32, #tpu.memory_space<hbm>> -> memref<100000x128xf32, #tpu.memory_space<hbm>>
    %dma_start3A_172 = tpu.memref_slice %arg18[%dma_start3A_162] : memref<6x!tpu.dma_semaphore, #tpu.memory_space<semaphore_mem>> -> memref<1x!tpu.dma_semaphore, #tpu.memory_space<semaphore_mem>>
    %dma_start3A_173 = tpu.memref_squeeze %dma_start3A_172 : memref<1x!tpu.dma_semaphore, #tpu.memory_space<semaphore_mem>> -> memref<!tpu.dma_semaphore, #tpu.memory_space<semaphore_mem>>
    tpu.enqueue_indirect_dma source(%dma_start3A_171 : memref<100000x128xf32, #tpu.memory_space<hbm>>) target(%dma_start3A_166 : memref<32x128xf32, #tpu.memory_space<vmem>>) offsets(%dma_start3A_168 : memref<32xi32, #tpu.memory_space<vmem>>) semaphore(%dma_start3A_173 : memref<!tpu.dma_semaphore, #tpu.memory_space<semaphore_mem>>)
    %dma_start3A_174 = arith.constant 2 : i32
    %dma_start3A_175 = arith.constant 2 : i32
    %dma_start3A_176 = arith.constant 0 : i32
    %dma_start3A_177 = arith.constant 0 : i32
    %dma_start3A_178 = tpu.memref_slice %arg13[%dma_start3A_174, %dma_start3A_176, %dma_start3A_177] : memref<6x32x128xf32, #tpu.memory_space<vmem>> -> memref<1x32x128xf32, #tpu.memory_space<vmem>>
    %dma_start3A_179 = tpu.memref_squeeze %dma_start3A_178 : memref<1x32x128xf32, #tpu.memory_space<vmem>> -> memref<32x128xf32, #tpu.memory_space<vmem>>
    %dma_start3A_180 = arith.constant 64 : i32
    %dma_start3A_181 = tpu.memref_slice %arg9[%dma_start3A_180] : memref<512xi32, #tpu.memory_space<vmem>> -> memref<32xi32, #tpu.memory_space<vmem>>
    %dma_start3A_182 = arith.constant 0 : i32
    %dma_start3A_183 = arith.constant 0 : i32
    %dma_start3A_184 = tpu.memref_slice %arg6[%dma_start3A_182, %dma_start3A_183] : memref<100000x128xf32, #tpu.memory_space<hbm>> -> memref<100000x128xf32, #tpu.memory_space<hbm>>
    %dma_start3A_185 = tpu.memref_slice %arg18[%dma_start3A_175] : memref<6x!tpu.dma_semaphore, #tpu.memory_space<semaphore_mem>> -> memref<1x!tpu.dma_semaphore, #tpu.memory_space<semaphore_mem>>
    %dma_start3A_186 = tpu.memref_squeeze %dma_start3A_185 : memref<1x!tpu.dma_semaphore, #tpu.memory_space<semaphore_mem>> -> memref<!tpu.dma_semaphore, #tpu.memory_space<semaphore_mem>>
    tpu.enqueue_indirect_dma source(%dma_start3A_184 : memref<100000x128xf32, #tpu.memory_space<hbm>>) target(%dma_start3A_179 : memref<32x128xf32, #tpu.memory_space<vmem>>) offsets(%dma_start3A_181 : memref<32xi32, #tpu.memory_space<vmem>>) semaphore(%dma_start3A_186 : memref<!tpu.dma_semaphore, #tpu.memory_space<semaphore_mem>>)
    %dma_start3A_187 = arith.constant 2 : i32
    %dma_start3A_188 = arith.constant 2 : i32
    %dma_start3A_189 = arith.constant 0 : i32
    %dma_start3A_190 = arith.constant 0 : i32
    %dma_start3A_191 = tpu.memref_slice %arg14[%dma_start3A_187, %dma_start3A_189, %dma_start3A_190] : memref<6x32x128xf32, #tpu.memory_space<vmem>> -> memref<1x32x128xf32, #tpu.memory_space<vmem>>
    %dma_start3A_192 = tpu.memref_squeeze %dma_start3A_191 : memref<1x32x128xf32, #tpu.memory_space<vmem>> -> memref<32x128xf32, #tpu.memory_space<vmem>>
    %dma_start3A_193 = arith.constant 64 : i32
    %dma_start3A_194 = tpu.memref_slice %arg11[%dma_start3A_193] : memref<512xi32, #tpu.memory_space<vmem>> -> memref<32xi32, #tpu.memory_space<vmem>>
    %dma_start3A_195 = arith.constant 0 : i32
    %dma_start3A_196 = arith.constant 0 : i32
    %dma_start3A_197 = tpu.memref_slice %arg5[%dma_start3A_195, %dma_start3A_196] : memref<100000x128xf32, #tpu.memory_space<hbm>> -> memref<100000x128xf32, #tpu.memory_space<hbm>>
    %dma_start3A_198 = tpu.memref_slice %arg18[%dma_start3A_188] : memref<6x!tpu.dma_semaphore, #tpu.memory_space<semaphore_mem>> -> memref<1x!tpu.dma_semaphore, #tpu.memory_space<semaphore_mem>>
    %dma_start3A_199 = tpu.memref_squeeze %dma_start3A_198 : memref<1x!tpu.dma_semaphore, #tpu.memory_space<semaphore_mem>> -> memref<!tpu.dma_semaphore, #tpu.memory_space<semaphore_mem>>
    tpu.enqueue_indirect_dma source(%dma_start3A_197 : memref<100000x128xf32, #tpu.memory_space<hbm>>) target(%dma_start3A_192 : memref<32x128xf32, #tpu.memory_space<vmem>>) offsets(%dma_start3A_194 : memref<32xi32, #tpu.memory_space<vmem>>) semaphore(%dma_start3A_199 : memref<!tpu.dma_semaphore, #tpu.memory_space<semaphore_mem>>)
    %dma_start3A_200 = arith.constant 2 : i32
    %dma_start3A_201 = arith.constant 2 : i32
    %dma_start3A_202 = arith.constant 0 : i32
    %dma_start3A_203 = arith.constant 0 : i32
    %dma_start3A_204 = tpu.memref_slice %arg15[%dma_start3A_200, %dma_start3A_202, %dma_start3A_203] : memref<6x32x128xf32, #tpu.memory_space<vmem>> -> memref<1x32x128xf32, #tpu.memory_space<vmem>>
    %dma_start3A_205 = tpu.memref_squeeze %dma_start3A_204 : memref<1x32x128xf32, #tpu.memory_space<vmem>> -> memref<32x128xf32, #tpu.memory_space<vmem>>
    %dma_start3A_206 = arith.constant 64 : i32
    %dma_start3A_207 = tpu.memref_slice %arg11[%dma_start3A_206] : memref<512xi32, #tpu.memory_space<vmem>> -> memref<32xi32, #tpu.memory_space<vmem>>
    %dma_start3A_208 = arith.constant 0 : i32
    %dma_start3A_209 = arith.constant 0 : i32
    %dma_start3A_210 = tpu.memref_slice %arg6[%dma_start3A_208, %dma_start3A_209] : memref<100000x128xf32, #tpu.memory_space<hbm>> -> memref<100000x128xf32, #tpu.memory_space<hbm>>
    %dma_start3A_211 = tpu.memref_slice %arg18[%dma_start3A_201] : memref<6x!tpu.dma_semaphore, #tpu.memory_space<semaphore_mem>> -> memref<1x!tpu.dma_semaphore, #tpu.memory_space<semaphore_mem>>
    %dma_start3A_212 = tpu.memref_squeeze %dma_start3A_211 : memref<1x!tpu.dma_semaphore, #tpu.memory_space<semaphore_mem>> -> memref<!tpu.dma_semaphore, #tpu.memory_space<semaphore_mem>>
    tpu.enqueue_indirect_dma source(%dma_start3A_210 : memref<100000x128xf32, #tpu.memory_space<hbm>>) target(%dma_start3A_205 : memref<32x128xf32, #tpu.memory_space<vmem>>) offsets(%dma_start3A_207 : memref<32xi32, #tpu.memory_space<vmem>>) semaphore(%dma_start3A_212 : memref<!tpu.dma_semaphore, #tpu.memory_space<semaphore_mem>>)
    %dma_start3A_213 = arith.constant 2 : i32
    %dma_start3A_214 = arith.constant 2 : i32
    %dma_start3A_215 = arith.constant 0 : i32
    %dma_start3A_216 = arith.constant 0 : i32
    %dma_start3A_217 = tpu.memref_slice %arg16[%dma_start3A_213, %dma_start3A_215, %dma_start3A_216] : memref<6x32x128xi32, #tpu.memory_space<vmem>> -> memref<1x32x128xi32, #tpu.memory_space<vmem>>
    %dma_start3A_218 = tpu.memref_squeeze %dma_start3A_217 : memref<1x32x128xi32, #tpu.memory_space<vmem>> -> memref<32x128xi32, #tpu.memory_space<vmem>>
    %dma_start3A_219 = arith.constant 64 : i32
    %dma_start3A_220 = tpu.memref_slice %arg10[%dma_start3A_219] : memref<512xi32, #tpu.memory_space<vmem>> -> memref<32xi32, #tpu.memory_space<vmem>>
    %dma_start3A_221 = arith.constant 0 : i32
    %dma_start3A_222 = arith.constant 0 : i32
    %dma_start3A_223 = tpu.memref_slice %arg7[%dma_start3A_221, %dma_start3A_222] : memref<1000x128xi32, #tpu.memory_space<hbm>> -> memref<1000x128xi32, #tpu.memory_space<hbm>>
    %dma_start3A_224 = tpu.memref_slice %arg18[%dma_start3A_214] : memref<6x!tpu.dma_semaphore, #tpu.memory_space<semaphore_mem>> -> memref<1x!tpu.dma_semaphore, #tpu.memory_space<semaphore_mem>>
    %dma_start3A_225 = tpu.memref_squeeze %dma_start3A_224 : memref<1x!tpu.dma_semaphore, #tpu.memory_space<semaphore_mem>> -> memref<!tpu.dma_semaphore, #tpu.memory_space<semaphore_mem>>
    tpu.enqueue_indirect_dma source(%dma_start3A_223 : memref<1000x128xi32, #tpu.memory_space<hbm>>) target(%dma_start3A_218 : memref<32x128xi32, #tpu.memory_space<vmem>>) offsets(%dma_start3A_220 : memref<32xi32, #tpu.memory_space<vmem>>) semaphore(%dma_start3A_225 : memref<!tpu.dma_semaphore, #tpu.memory_space<semaphore_mem>>)
    %dma_start3A_226 = arith.constant 3 : i32
    %dma_start3A_227 = arith.constant 3 : i32
    %dma_start3A_228 = arith.constant 0 : i32
    %dma_start3A_229 = arith.constant 0 : i32
    %dma_start3A_230 = tpu.memref_slice %arg12[%dma_start3A_226, %dma_start3A_228, %dma_start3A_229] : memref<6x32x128xf32, #tpu.memory_space<vmem>> -> memref<1x32x128xf32, #tpu.memory_space<vmem>>
    %dma_start3A_231 = tpu.memref_squeeze %dma_start3A_230 : memref<1x32x128xf32, #tpu.memory_space<vmem>> -> memref<32x128xf32, #tpu.memory_space<vmem>>
    %dma_start3A_232 = arith.constant 96 : i32
    %dma_start3A_233 = tpu.memref_slice %arg9[%dma_start3A_232] : memref<512xi32, #tpu.memory_space<vmem>> -> memref<32xi32, #tpu.memory_space<vmem>>
    %dma_start3A_234 = arith.constant 0 : i32
    %dma_start3A_235 = arith.constant 0 : i32
    %dma_start3A_236 = tpu.memref_slice %arg5[%dma_start3A_234, %dma_start3A_235] : memref<100000x128xf32, #tpu.memory_space<hbm>> -> memref<100000x128xf32, #tpu.memory_space<hbm>>
    %dma_start3A_237 = tpu.memref_slice %arg18[%dma_start3A_227] : memref<6x!tpu.dma_semaphore, #tpu.memory_space<semaphore_mem>> -> memref<1x!tpu.dma_semaphore, #tpu.memory_space<semaphore_mem>>
    %dma_start3A_238 = tpu.memref_squeeze %dma_start3A_237 : memref<1x!tpu.dma_semaphore, #tpu.memory_space<semaphore_mem>> -> memref<!tpu.dma_semaphore, #tpu.memory_space<semaphore_mem>>
    tpu.enqueue_indirect_dma source(%dma_start3A_236 : memref<100000x128xf32, #tpu.memory_space<hbm>>) target(%dma_start3A_231 : memref<32x128xf32, #tpu.memory_space<vmem>>) offsets(%dma_start3A_233 : memref<32xi32, #tpu.memory_space<vmem>>) semaphore(%dma_start3A_238 : memref<!tpu.dma_semaphore, #tpu.memory_space<semaphore_mem>>)
    %dma_start3A_239 = arith.constant 3 : i32
    %dma_start3A_240 = arith.constant 3 : i32
    %dma_start3A_241 = arith.constant 0 : i32
    %dma_start3A_242 = arith.constant 0 : i32
    %dma_start3A_243 = tpu.memref_slice %arg13[%dma_start3A_239, %dma_start3A_241, %dma_start3A_242] : memref<6x32x128xf32, #tpu.memory_space<vmem>> -> memref<1x32x128xf32, #tpu.memory_space<vmem>>
    %dma_start3A_244 = tpu.memref_squeeze %dma_start3A_243 : memref<1x32x128xf32, #tpu.memory_space<vmem>> -> memref<32x128xf32, #tpu.memory_space<vmem>>
    %dma_start3A_245 = arith.constant 96 : i32
    %dma_start3A_246 = tpu.memref_slice %arg9[%dma_start3A_245] : memref<512xi32, #tpu.memory_space<vmem>> -> memref<32xi32, #tpu.memory_space<vmem>>
    %dma_start3A_247 = arith.constant 0 : i32
    %dma_start3A_248 = arith.constant 0 : i32
    %dma_start3A_249 = tpu.memref_slice %arg6[%dma_start3A_247, %dma_start3A_248] : memref<100000x128xf32, #tpu.memory_space<hbm>> -> memref<100000x128xf32, #tpu.memory_space<hbm>>
    %dma_start3A_250 = tpu.memref_slice %arg18[%dma_start3A_240] : memref<6x!tpu.dma_semaphore, #tpu.memory_space<semaphore_mem>> -> memref<1x!tpu.dma_semaphore, #tpu.memory_space<semaphore_mem>>
    %dma_start3A_251 = tpu.memref_squeeze %dma_start3A_250 : memref<1x!tpu.dma_semaphore, #tpu.memory_space<semaphore_mem>> -> memref<!tpu.dma_semaphore, #tpu.memory_space<semaphore_mem>>
    tpu.enqueue_indirect_dma source(%dma_start3A_249 : memref<100000x128xf32, #tpu.memory_space<hbm>>) target(%dma_start3A_244 : memref<32x128xf32, #tpu.memory_space<vmem>>) offsets(%dma_start3A_246 : memref<32xi32, #tpu.memory_space<vmem>>) semaphore(%dma_start3A_251 : memref<!tpu.dma_semaphore, #tpu.memory_space<semaphore_mem>>)
    %dma_start3A_252 = arith.constant 3 : i32
    %dma_start3A_253 = arith.constant 3 : i32
    %dma_start3A_254 = arith.constant 0 : i32
    %dma_start3A_255 = arith.constant 0 : i32
    %dma_start3A_256 = tpu.memref_slice %arg14[%dma_start3A_252, %dma_start3A_254, %dma_start3A_255] : memref<6x32x128xf32, #tpu.memory_space<vmem>> -> memref<1x32x128xf32, #tpu.memory_space<vmem>>
    %dma_start3A_257 = tpu.memref_squeeze %dma_start3A_256 : memref<1x32x128xf32, #tpu.memory_space<vmem>> -> memref<32x128xf32, #tpu.memory_space<vmem>>
    %dma_start3A_258 = arith.constant 96 : i32
    %dma_start3A_259 = tpu.memref_slice %arg11[%dma_start3A_258] : memref<512xi32, #tpu.memory_space<vmem>> -> memref<32xi32, #tpu.memory_space<vmem>>
    %dma_start3A_260 = arith.constant 0 : i32
    %dma_start3A_261 = arith.constant 0 : i32
    %dma_start3A_262 = tpu.memref_slice %arg5[%dma_start3A_260, %dma_start3A_261] : memref<100000x128xf32, #tpu.memory_space<hbm>> -> memref<100000x128xf32, #tpu.memory_space<hbm>>
    %dma_start3A_263 = tpu.memref_slice %arg18[%dma_start3A_253] : memref<6x!tpu.dma_semaphore, #tpu.memory_space<semaphore_mem>> -> memref<1x!tpu.dma_semaphore, #tpu.memory_space<semaphore_mem>>
    %dma_start3A_264 = tpu.memref_squeeze %dma_start3A_263 : memref<1x!tpu.dma_semaphore, #tpu.memory_space<semaphore_mem>> -> memref<!tpu.dma_semaphore, #tpu.memory_space<semaphore_mem>>
    tpu.enqueue_indirect_dma source(%dma_start3A_262 : memref<100000x128xf32, #tpu.memory_space<hbm>>) target(%dma_start3A_257 : memref<32x128xf32, #tpu.memory_space<vmem>>) offsets(%dma_start3A_259 : memref<32xi32, #tpu.memory_space<vmem>>) semaphore(%dma_start3A_264 : memref<!tpu.dma_semaphore, #tpu.memory_space<semaphore_mem>>)
    %dma_start3A_265 = arith.constant 3 : i32
    %dma_start3A_266 = arith.constant 3 : i32
    %dma_start3A_267 = arith.constant 0 : i32
    %dma_start3A_268 = arith.constant 0 : i32
    %dma_start3A_269 = tpu.memref_slice %arg15[%dma_start3A_265, %dma_start3A_267, %dma_start3A_268] : memref<6x32x128xf32, #tpu.memory_space<vmem>> -> memref<1x32x128xf32, #tpu.memory_space<vmem>>
    %dma_start3A_270 = tpu.memref_squeeze %dma_start3A_269 : memref<1x32x128xf32, #tpu.memory_space<vmem>> -> memref<32x128xf32, #tpu.memory_space<vmem>>
    %dma_start3A_271 = arith.constant 96 : i32
    %dma_start3A_272 = tpu.memref_slice %arg11[%dma_start3A_271] : memref<512xi32, #tpu.memory_space<vmem>> -> memref<32xi32, #tpu.memory_space<vmem>>
    %dma_start3A_273 = arith.constant 0 : i32
    %dma_start3A_274 = arith.constant 0 : i32
    %dma_start3A_275 = tpu.memref_slice %arg6[%dma_start3A_273, %dma_start3A_274] : memref<100000x128xf32, #tpu.memory_space<hbm>> -> memref<100000x128xf32, #tpu.memory_space<hbm>>
    %dma_start3A_276 = tpu.memref_slice %arg18[%dma_start3A_266] : memref<6x!tpu.dma_semaphore, #tpu.memory_space<semaphore_mem>> -> memref<1x!tpu.dma_semaphore, #tpu.memory_space<semaphore_mem>>
    %dma_start3A_277 = tpu.memref_squeeze %dma_start3A_276 : memref<1x!tpu.dma_semaphore, #tpu.memory_space<semaphore_mem>> -> memref<!tpu.dma_semaphore, #tpu.memory_space<semaphore_mem>>
    tpu.enqueue_indirect_dma source(%dma_start3A_275 : memref<100000x128xf32, #tpu.memory_space<hbm>>) target(%dma_start3A_270 : memref<32x128xf32, #tpu.memory_space<vmem>>) offsets(%dma_start3A_272 : memref<32xi32, #tpu.memory_space<vmem>>) semaphore(%dma_start3A_277 : memref<!tpu.dma_semaphore, #tpu.memory_space<semaphore_mem>>)
    %dma_start3A_278 = arith.constant 3 : i32
    %dma_start3A_279 = arith.constant 3 : i32
    %dma_start3A_280 = arith.constant 0 : i32
    %dma_start3A_281 = arith.constant 0 : i32
    %dma_start3A_282 = tpu.memref_slice %arg16[%dma_start3A_278, %dma_start3A_280, %dma_start3A_281] : memref<6x32x128xi32, #tpu.memory_space<vmem>> -> memref<1x32x128xi32, #tpu.memory_space<vmem>>
    %dma_start3A_283 = tpu.memref_squeeze %dma_start3A_282 : memref<1x32x128xi32, #tpu.memory_space<vmem>> -> memref<32x128xi32, #tpu.memory_space<vmem>>
    %dma_start3A_284 = arith.constant 96 : i32
    %dma_start3A_285 = tpu.memref_slice %arg10[%dma_start3A_284] : memref<512xi32, #tpu.memory_space<vmem>> -> memref<32xi32, #tpu.memory_space<vmem>>
    %dma_start3A_286 = arith.constant 0 : i32
    %dma_start3A_287 = arith.constant 0 : i32
    %dma_start3A_288 = tpu.memref_slice %arg7[%dma_start3A_286, %dma_start3A_287] : memref<1000x128xi32, #tpu.memory_space<hbm>> -> memref<1000x128xi32, #tpu.memory_space<hbm>>
    %dma_start3A_289 = tpu.memref_slice %arg18[%dma_start3A_279] : memref<6x!tpu.dma_semaphore, #tpu.memory_space<semaphore_mem>> -> memref<1x!tpu.dma_semaphore, #tpu.memory_space<semaphore_mem>>
    %dma_start3A_290 = tpu.memref_squeeze %dma_start3A_289 : memref<1x!tpu.dma_semaphore, #tpu.memory_space<semaphore_mem>> -> memref<!tpu.dma_semaphore, #tpu.memory_space<semaphore_mem>>
    tpu.enqueue_indirect_dma source(%dma_start3A_288 : memref<1000x128xi32, #tpu.memory_space<hbm>>) target(%dma_start3A_283 : memref<32x128xi32, #tpu.memory_space<vmem>>) offsets(%dma_start3A_285 : memref<32xi32, #tpu.memory_space<vmem>>) semaphore(%dma_start3A_290 : memref<!tpu.dma_semaphore, #tpu.memory_space<semaphore_mem>>)
    %scan3A = arith.constant 0 : i32
    %scan3A_291 = arith.constant 0 : i32
    %scan3A_292 = arith.constant 16 : i32
    %scan3A_293 = arith.addi %scan3A_291, %scan3A_292 : i32
    %scan3A_294 = arith.constant 1 : i32
    scf.for %scan3A_296 = %scan3A_291 to %scan3A_293 step %scan3A_294  : i32 {
      %rem3A = arith.constant 6 : i32
      %rem3A_297 = arith.remsi %scan3A_296, %rem3A : i32
      %mul3A_298 = arith.constant 32 : i32
      %mul3A_299 = arith.muli %scan3A_296, %mul3A_298 : i32
      %dma_wait3A_300 = arith.constant 0 : i32
      %dma_wait3A_301 = arith.constant 0 : i32
      %dma_wait3A_302 = tpu.memref_slice %arg12[%rem3A_297, %dma_wait3A_300, %dma_wait3A_301] : memref<6x32x128xf32, #tpu.memory_space<vmem>> -> memref<1x32x128xf32, #tpu.memory_space<vmem>>
      %dma_wait3A_303 = tpu.memref_squeeze %dma_wait3A_302 : memref<1x32x128xf32, #tpu.memory_space<vmem>> -> memref<32x128xf32, #tpu.memory_space<vmem>>
      %dma_wait3A_304 = tpu.memref_slice %arg9[%mul3A_299] : memref<512xi32, #tpu.memory_space<vmem>> -> memref<32xi32, #tpu.memory_space<vmem>>
      %dma_wait3A_305 = arith.constant 0 : i32
      %dma_wait3A_306 = arith.constant 0 : i32
      %dma_wait3A_307 = tpu.memref_slice %arg5[%dma_wait3A_305, %dma_wait3A_306] : memref<100000x128xf32, #tpu.memory_space<hbm>> -> memref<100000x128xf32, #tpu.memory_space<hbm>>
      %dma_wait3A_308 = tpu.memref_slice %arg18[%rem3A_297] : memref<6x!tpu.dma_semaphore, #tpu.memory_space<semaphore_mem>> -> memref<1x!tpu.dma_semaphore, #tpu.memory_space<semaphore_mem>>
      %dma_wait3A_309 = tpu.memref_squeeze %dma_wait3A_308 : memref<1x!tpu.dma_semaphore, #tpu.memory_space<semaphore_mem>> -> memref<!tpu.dma_semaphore, #tpu.memory_space<semaphore_mem>>
      tpu.wait_indirect_dma semaphore(%dma_wait3A_309 : memref<!tpu.dma_semaphore, #tpu.memory_space<semaphore_mem>>) src(%dma_wait3A_307 : memref<100000x128xf32, #tpu.memory_space<hbm>>) dst(%dma_wait3A_303 : memref<32x128xf32, #tpu.memory_space<vmem>>)
      %dma_wait3A_310 = arith.constant 0 : i32
      %dma_wait3A_311 = arith.constant 0 : i32
      %dma_wait3A_312 = tpu.memref_slice %arg13[%rem3A_297, %dma_wait3A_310, %dma_wait3A_311] : memref<6x32x128xf32, #tpu.memory_space<vmem>> -> memref<1x32x128xf32, #tpu.memory_space<vmem>>
      %dma_wait3A_313 = tpu.memref_squeeze %dma_wait3A_312 : memref<1x32x128xf32, #tpu.memory_space<vmem>> -> memref<32x128xf32, #tpu.memory_space<vmem>>
      %dma_wait3A_314 = tpu.memref_slice %arg9[%mul3A_299] : memref<512xi32, #tpu.memory_space<vmem>> -> memref<32xi32, #tpu.memory_space<vmem>>
      %dma_wait3A_315 = arith.constant 0 : i32
      %dma_wait3A_316 = arith.constant 0 : i32
      %dma_wait3A_317 = tpu.memref_slice %arg6[%dma_wait3A_315, %dma_wait3A_316] : memref<100000x128xf32, #tpu.memory_space<hbm>> -> memref<100000x128xf32, #tpu.memory_space<hbm>>
      %dma_wait3A_318 = tpu.memref_slice %arg18[%rem3A_297] : memref<6x!tpu.dma_semaphore, #tpu.memory_space<semaphore_mem>> -> memref<1x!tpu.dma_semaphore, #tpu.memory_space<semaphore_mem>>
      %dma_wait3A_319 = tpu.memref_squeeze %dma_wait3A_318 : memref<1x!tpu.dma_semaphore, #tpu.memory_space<semaphore_mem>> -> memref<!tpu.dma_semaphore, #tpu.memory_space<semaphore_mem>>
      tpu.wait_indirect_dma semaphore(%dma_wait3A_319 : memref<!tpu.dma_semaphore, #tpu.memory_space<semaphore_mem>>) src(%dma_wait3A_317 : memref<100000x128xf32, #tpu.memory_space<hbm>>) dst(%dma_wait3A_313 : memref<32x128xf32, #tpu.memory_space<vmem>>)
      %dma_wait3A_320 = arith.constant 0 : i32
      %dma_wait3A_321 = arith.constant 0 : i32
      %dma_wait3A_322 = tpu.memref_slice %arg14[%rem3A_297, %dma_wait3A_320, %dma_wait3A_321] : memref<6x32x128xf32, #tpu.memory_space<vmem>> -> memref<1x32x128xf32, #tpu.memory_space<vmem>>
      %dma_wait3A_323 = tpu.memref_squeeze %dma_wait3A_322 : memref<1x32x128xf32, #tpu.memory_space<vmem>> -> memref<32x128xf32, #tpu.memory_space<vmem>>
      %dma_wait3A_324 = tpu.memref_slice %arg11[%mul3A_299] : memref<512xi32, #tpu.memory_space<vmem>> -> memref<32xi32, #tpu.memory_space<vmem>>
      %dma_wait3A_325 = arith.constant 0 : i32
      %dma_wait3A_326 = arith.constant 0 : i32
      %dma_wait3A_327 = tpu.memref_slice %arg5[%dma_wait3A_325, %dma_wait3A_326] : memref<100000x128xf32, #tpu.memory_space<hbm>> -> memref<100000x128xf32, #tpu.memory_space<hbm>>
      %dma_wait3A_328 = tpu.memref_slice %arg18[%rem3A_297] : memref<6x!tpu.dma_semaphore, #tpu.memory_space<semaphore_mem>> -> memref<1x!tpu.dma_semaphore, #tpu.memory_space<semaphore_mem>>
      %dma_wait3A_329 = tpu.memref_squeeze %dma_wait3A_328 : memref<1x!tpu.dma_semaphore, #tpu.memory_space<semaphore_mem>> -> memref<!tpu.dma_semaphore, #tpu.memory_space<semaphore_mem>>
      tpu.wait_indirect_dma semaphore(%dma_wait3A_329 : memref<!tpu.dma_semaphore, #tpu.memory_space<semaphore_mem>>) src(%dma_wait3A_327 : memref<100000x128xf32, #tpu.memory_space<hbm>>) dst(%dma_wait3A_323 : memref<32x128xf32, #tpu.memory_space<vmem>>)
      %dma_wait3A_330 = arith.constant 0 : i32
      %dma_wait3A_331 = arith.constant 0 : i32
      %dma_wait3A_332 = tpu.memref_slice %arg15[%rem3A_297, %dma_wait3A_330, %dma_wait3A_331] : memref<6x32x128xf32, #tpu.memory_space<vmem>> -> memref<1x32x128xf32, #tpu.memory_space<vmem>>
      %dma_wait3A_333 = tpu.memref_squeeze %dma_wait3A_332 : memref<1x32x128xf32, #tpu.memory_space<vmem>> -> memref<32x128xf32, #tpu.memory_space<vmem>>
      %dma_wait3A_334 = tpu.memref_slice %arg11[%mul3A_299] : memref<512xi32, #tpu.memory_space<vmem>> -> memref<32xi32, #tpu.memory_space<vmem>>
      %dma_wait3A_335 = arith.constant 0 : i32
      %dma_wait3A_336 = arith.constant 0 : i32
      %dma_wait3A_337 = tpu.memref_slice %arg6[%dma_wait3A_335, %dma_wait3A_336] : memref<100000x128xf32, #tpu.memory_space<hbm>> -> memref<100000x128xf32, #tpu.memory_space<hbm>>
      %dma_wait3A_338 = tpu.memref_slice %arg18[%rem3A_297] : memref<6x!tpu.dma_semaphore, #tpu.memory_space<semaphore_mem>> -> memref<1x!tpu.dma_semaphore, #tpu.memory_space<semaphore_mem>>
      %dma_wait3A_339 = tpu.memref_squeeze %dma_wait3A_338 : memref<1x!tpu.dma_semaphore, #tpu.memory_space<semaphore_mem>> -> memref<!tpu.dma_semaphore, #tpu.memory_space<semaphore_mem>>
      tpu.wait_indirect_dma semaphore(%dma_wait3A_339 : memref<!tpu.dma_semaphore, #tpu.memory_space<semaphore_mem>>) src(%dma_wait3A_337 : memref<100000x128xf32, #tpu.memory_space<hbm>>) dst(%dma_wait3A_333 : memref<32x128xf32, #tpu.memory_space<vmem>>)
      %dma_wait3A_340 = arith.constant 0 : i32
      %dma_wait3A_341 = arith.constant 0 : i32
      %dma_wait3A_342 = tpu.memref_slice %arg16[%rem3A_297, %dma_wait3A_340, %dma_wait3A_341] : memref<6x32x128xi32, #tpu.memory_space<vmem>> -> memref<1x32x128xi32, #tpu.memory_space<vmem>>
      %dma_wait3A_343 = tpu.memref_squeeze %dma_wait3A_342 : memref<1x32x128xi32, #tpu.memory_space<vmem>> -> memref<32x128xi32, #tpu.memory_space<vmem>>
      %dma_wait3A_344 = tpu.memref_slice %arg10[%mul3A_299] : memref<512xi32, #tpu.memory_space<vmem>> -> memref<32xi32, #tpu.memory_space<vmem>>
      %dma_wait3A_345 = arith.constant 0 : i32
      %dma_wait3A_346 = arith.constant 0 : i32
      %dma_wait3A_347 = tpu.memref_slice %arg7[%dma_wait3A_345, %dma_wait3A_346] : memref<1000x128xi32, #tpu.memory_space<hbm>> -> memref<1000x128xi32, #tpu.memory_space<hbm>>
      %dma_wait3A_348 = tpu.memref_slice %arg18[%rem3A_297] : memref<6x!tpu.dma_semaphore, #tpu.memory_space<semaphore_mem>> -> memref<1x!tpu.dma_semaphore, #tpu.memory_space<semaphore_mem>>
      %dma_wait3A_349 = tpu.memref_squeeze %dma_wait3A_348 : memref<1x!tpu.dma_semaphore, #tpu.memory_space<semaphore_mem>> -> memref<!tpu.dma_semaphore, #tpu.memory_space<semaphore_mem>>
      tpu.wait_indirect_dma semaphore(%dma_wait3A_349 : memref<!tpu.dma_semaphore, #tpu.memory_space<semaphore_mem>>) src(%dma_wait3A_347 : memref<1000x128xi32, #tpu.memory_space<hbm>>) dst(%dma_wait3A_343 : memref<32x128xi32, #tpu.memory_space<vmem>>)
      %lt3A = arith.constant 12 : i32
      %lt3A_350 = arith.cmpi slt, %scan3A_296, %lt3A : i32
      %convert_element_type3A = arith.extui %lt3A_350 : i1 to i32
      %cond3A = arith.constant 0 : i32
      %cond3A_351 = arith.cmpi ne, %convert_element_type3A, %cond3A : i32
      scf.if %cond3A_351 {
        %add3A_358 = arith.constant 4 : i32
        %add3A_359 = arith.addi %scan3A_296, %add3A_358 : i32
        %add3A_360 = arith.constant 4 : i32
        %add3A_361 = arith.addi %scan3A_296, %add3A_360 : i32
        %rem3A_362 = arith.constant 6 : i32
        %rem3A_363 = arith.remsi %add3A_361, %rem3A_362 : i32
        %mul3A_364 = arith.constant 32 : i32
        %mul3A_365 = arith.muli %add3A_359, %mul3A_364 : i32
        %dma_start3A_366 = arith.constant 0 : i32
        %dma_start3A_367 = arith.constant 0 : i32
        %dma_start3A_368 = tpu.memref_slice %arg12[%rem3A_363, %dma_start3A_366, %dma_start3A_367] : memref<6x32x128xf32, #tpu.memory_space<vmem>> -> memref<1x32x128xf32, #tpu.memory_space<vmem>>
        %dma_start3A_369 = tpu.memref_squeeze %dma_start3A_368 : memref<1x32x128xf32, #tpu.memory_space<vmem>> -> memref<32x128xf32, #tpu.memory_space<vmem>>
        %dma_start3A_370 = tpu.memref_slice %arg9[%mul3A_365] : memref<512xi32, #tpu.memory_space<vmem>> -> memref<32xi32, #tpu.memory_space<vmem>>
        %dma_start3A_371 = arith.constant 0 : i32
        %dma_start3A_372 = arith.constant 0 : i32
        %dma_start3A_373 = tpu.memref_slice %arg5[%dma_start3A_371, %dma_start3A_372] : memref<100000x128xf32, #tpu.memory_space<hbm>> -> memref<100000x128xf32, #tpu.memory_space<hbm>>
        %dma_start3A_374 = tpu.memref_slice %arg18[%rem3A_363] : memref<6x!tpu.dma_semaphore, #tpu.memory_space<semaphore_mem>> -> memref<1x!tpu.dma_semaphore, #tpu.memory_space<semaphore_mem>>
        %dma_start3A_375 = tpu.memref_squeeze %dma_start3A_374 : memref<1x!tpu.dma_semaphore, #tpu.memory_space<semaphore_mem>> -> memref<!tpu.dma_semaphore, #tpu.memory_space<semaphore_mem>>
        tpu.enqueue_indirect_dma source(%dma_start3A_373 : memref<100000x128xf32, #tpu.memory_space<hbm>>) target(%dma_start3A_369 : memref<32x128xf32, #tpu.memory_space<vmem>>) offsets(%dma_start3A_370 : memref<32xi32, #tpu.memory_space<vmem>>) semaphore(%dma_start3A_375 : memref<!tpu.dma_semaphore, #tpu.memory_space<semaphore_mem>>)
        %dma_start3A_376 = arith.constant 0 : i32
        %dma_start3A_377 = arith.constant 0 : i32
        %dma_start3A_378 = tpu.memref_slice %arg13[%rem3A_363, %dma_start3A_376, %dma_start3A_377] : memref<6x32x128xf32, #tpu.memory_space<vmem>> -> memref<1x32x128xf32, #tpu.memory_space<vmem>>
        %dma_start3A_379 = tpu.memref_squeeze %dma_start3A_378 : memref<1x32x128xf32, #tpu.memory_space<vmem>> -> memref<32x128xf32, #tpu.memory_space<vmem>>
        %dma_start3A_380 = tpu.memref_slice %arg9[%mul3A_365] : memref<512xi32, #tpu.memory_space<vmem>> -> memref<32xi32, #tpu.memory_space<vmem>>
        %dma_start3A_381 = arith.constant 0 : i32
        %dma_start3A_382 = arith.constant 0 : i32
        %dma_start3A_383 = tpu.memref_slice %arg6[%dma_start3A_381, %dma_start3A_382] : memref<100000x128xf32, #tpu.memory_space<hbm>> -> memref<100000x128xf32, #tpu.memory_space<hbm>>
        %dma_start3A_384 = tpu.memref_slice %arg18[%rem3A_363] : memref<6x!tpu.dma_semaphore, #tpu.memory_space<semaphore_mem>> -> memref<1x!tpu.dma_semaphore, #tpu.memory_space<semaphore_mem>>
        %dma_start3A_385 = tpu.memref_squeeze %dma_start3A_384 : memref<1x!tpu.dma_semaphore, #tpu.memory_space<semaphore_mem>> -> memref<!tpu.dma_semaphore, #tpu.memory_space<semaphore_mem>>
        tpu.enqueue_indirect_dma source(%dma_start3A_383 : memref<100000x128xf32, #tpu.memory_space<hbm>>) target(%dma_start3A_379 : memref<32x128xf32, #tpu.memory_space<vmem>>) offsets(%dma_start3A_380 : memref<32xi32, #tpu.memory_space<vmem>>) semaphore(%dma_start3A_385 : memref<!tpu.dma_semaphore, #tpu.memory_space<semaphore_mem>>)
        %dma_start3A_386 = arith.constant 0 : i32
        %dma_start3A_387 = arith.constant 0 : i32
        %dma_start3A_388 = tpu.memref_slice %arg14[%rem3A_363, %dma_start3A_386, %dma_start3A_387] : memref<6x32x128xf32, #tpu.memory_space<vmem>> -> memref<1x32x128xf32, #tpu.memory_space<vmem>>
        %dma_start3A_389 = tpu.memref_squeeze %dma_start3A_388 : memref<1x32x128xf32, #tpu.memory_space<vmem>> -> memref<32x128xf32, #tpu.memory_space<vmem>>
        %dma_start3A_390 = tpu.memref_slice %arg11[%mul3A_365] : memref<512xi32, #tpu.memory_space<vmem>> -> memref<32xi32, #tpu.memory_space<vmem>>
        %dma_start3A_391 = arith.constant 0 : i32
        %dma_start3A_392 = arith.constant 0 : i32
        %dma_start3A_393 = tpu.memref_slice %arg5[%dma_start3A_391, %dma_start3A_392] : memref<100000x128xf32, #tpu.memory_space<hbm>> -> memref<100000x128xf32, #tpu.memory_space<hbm>>
        %dma_start3A_394 = tpu.memref_slice %arg18[%rem3A_363] : memref<6x!tpu.dma_semaphore, #tpu.memory_space<semaphore_mem>> -> memref<1x!tpu.dma_semaphore, #tpu.memory_space<semaphore_mem>>
        %dma_start3A_395 = tpu.memref_squeeze %dma_start3A_394 : memref<1x!tpu.dma_semaphore, #tpu.memory_space<semaphore_mem>> -> memref<!tpu.dma_semaphore, #tpu.memory_space<semaphore_mem>>
        tpu.enqueue_indirect_dma source(%dma_start3A_393 : memref<100000x128xf32, #tpu.memory_space<hbm>>) target(%dma_start3A_389 : memref<32x128xf32, #tpu.memory_space<vmem>>) offsets(%dma_start3A_390 : memref<32xi32, #tpu.memory_space<vmem>>) semaphore(%dma_start3A_395 : memref<!tpu.dma_semaphore, #tpu.memory_space<semaphore_mem>>)
        %dma_start3A_396 = arith.constant 0 : i32
        %dma_start3A_397 = arith.constant 0 : i32
        %dma_start3A_398 = tpu.memref_slice %arg15[%rem3A_363, %dma_start3A_396, %dma_start3A_397] : memref<6x32x128xf32, #tpu.memory_space<vmem>> -> memref<1x32x128xf32, #tpu.memory_space<vmem>>
        %dma_start3A_399 = tpu.memref_squeeze %dma_start3A_398 : memref<1x32x128xf32, #tpu.memory_space<vmem>> -> memref<32x128xf32, #tpu.memory_space<vmem>>
        %dma_start3A_400 = tpu.memref_slice %arg11[%mul3A_365] : memref<512xi32, #tpu.memory_space<vmem>> -> memref<32xi32, #tpu.memory_space<vmem>>
        %dma_start3A_401 = arith.constant 0 : i32
        %dma_start3A_402 = arith.constant 0 : i32
        %dma_start3A_403 = tpu.memref_slice %arg6[%dma_start3A_401, %dma_start3A_402] : memref<100000x128xf32, #tpu.memory_space<hbm>> -> memref<100000x128xf32, #tpu.memory_space<hbm>>
        %dma_start3A_404 = tpu.memref_slice %arg18[%rem3A_363] : memref<6x!tpu.dma_semaphore, #tpu.memory_space<semaphore_mem>> -> memref<1x!tpu.dma_semaphore, #tpu.memory_space<semaphore_mem>>
        %dma_start3A_405 = tpu.memref_squeeze %dma_start3A_404 : memref<1x!tpu.dma_semaphore, #tpu.memory_space<semaphore_mem>> -> memref<!tpu.dma_semaphore, #tpu.memory_space<semaphore_mem>>
        tpu.enqueue_indirect_dma source(%dma_start3A_403 : memref<100000x128xf32, #tpu.memory_space<hbm>>) target(%dma_start3A_399 : memref<32x128xf32, #tpu.memory_space<vmem>>) offsets(%dma_start3A_400 : memref<32xi32, #tpu.memory_space<vmem>>) semaphore(%dma_start3A_405 : memref<!tpu.dma_semaphore, #tpu.memory_space<semaphore_mem>>)
        %dma_start3A_406 = arith.constant 0 : i32
        %dma_start3A_407 = arith.constant 0 : i32
        %dma_start3A_408 = tpu.memref_slice %arg16[%rem3A_363, %dma_start3A_406, %dma_start3A_407] : memref<6x32x128xi32, #tpu.memory_space<vmem>> -> memref<1x32x128xi32, #tpu.memory_space<vmem>>
        %dma_start3A_409 = tpu.memref_squeeze %dma_start3A_408 : memref<1x32x128xi32, #tpu.memory_space<vmem>> -> memref<32x128xi32, #tpu.memory_space<vmem>>
        %dma_start3A_410 = tpu.memref_slice %arg10[%mul3A_365] : memref<512xi32, #tpu.memory_space<vmem>> -> memref<32xi32, #tpu.memory_space<vmem>>
        %dma_start3A_411 = arith.constant 0 : i32
        %dma_start3A_412 = arith.constant 0 : i32
        %dma_start3A_413 = tpu.memref_slice %arg7[%dma_start3A_411, %dma_start3A_412] : memref<1000x128xi32, #tpu.memory_space<hbm>> -> memref<1000x128xi32, #tpu.memory_space<hbm>>
        %dma_start3A_414 = tpu.memref_slice %arg18[%rem3A_363] : memref<6x!tpu.dma_semaphore, #tpu.memory_space<semaphore_mem>> -> memref<1x!tpu.dma_semaphore, #tpu.memory_space<semaphore_mem>>
        %dma_start3A_415 = tpu.memref_squeeze %dma_start3A_414 : memref<1x!tpu.dma_semaphore, #tpu.memory_space<semaphore_mem>> -> memref<!tpu.dma_semaphore, #tpu.memory_space<semaphore_mem>>
        tpu.enqueue_indirect_dma source(%dma_start3A_413 : memref<1000x128xi32, #tpu.memory_space<hbm>>) target(%dma_start3A_409 : memref<32x128xi32, #tpu.memory_space<vmem>>) offsets(%dma_start3A_410 : memref<32xi32, #tpu.memory_space<vmem>>) semaphore(%dma_start3A_415 : memref<!tpu.dma_semaphore, #tpu.memory_space<semaphore_mem>>)
      } else {
      }
      %scan3A_352 = arith.constant 0 : i32
      %scan3A_353 = arith.constant 0 : i32
      %scan3A_354 = arith.constant 2 : i32
      %scan3A_355 = arith.addi %scan3A_353, %scan3A_354 : i32
      %scan3A_356 = arith.constant 1 : i32
      scf.for %scan3A_358 = %scan3A_353 to %scan3A_355 step %scan3A_356  : i32 {
        %broadcast_in_dim3A = arith.constant 0.000000e+00 : f32
        %broadcast_in_dim3A_359 = vector.broadcast %broadcast_in_dim3A : f32 to vector<16xf32>
        %scan3A_360 = arith.constant 0 : i32
        %scan3A_361 = arith.constant 16 : i32
        %scan3A_362 = arith.addi %scan3A_360, %scan3A_361 : i32
        %scan3A_363 = arith.constant 1 : i32
        %scan3A_364 = scf.for %scan3A_372 = %scan3A_360 to %scan3A_362 step %scan3A_363 iter_args(%scan3A_373 = %broadcast_in_dim3A_359) -> (vector<16xf32>)  : i32 {
          %mul3A_374 = arith.constant 16 : i32
          %mul3A_375 = arith.muli %scan3A_358, %mul3A_374 : i32
          %add3A_376 = arith.addi %mul3A_375, %scan3A_372 : i32
          %get3A = arith.index_cast %rem3A_297 : i32 to index
          %get3A_377 = arith.index_cast %add3A_376 : i32 to index
          %get3A_378 = arith.constant 0 : index
          %get3A_379 = tpu.vector_load %arg16[%get3A, %get3A_377, %get3A_378] {strides = array<i32>} : memref<6x32x128xi32, #tpu.memory_space<vmem>>, vector<16xi32>,
          %bitcast3A = vector.bitcast %get3A_379 : vector<16xi32> to vector<32xbf16>
          %unpack3A = tpu.unpack_subelements %bitcast3A, 0 {pack_format = #tpu.pack_format<interleaved>} : vector<32xbf16> -> vector<16xf32>
          %unpack3A_380 = tpu.unpack_subelements %bitcast3A, 1 {pack_format = #tpu.pack_format<interleaved>} : vector<32xbf16> -> vector<16xf32>
          %get3A_381 = arith.index_cast %rem3A_297 : i32 to index
          %get3A_382 = arith.index_cast %add3A_376 : i32 to index
          %get3A_383 = arith.constant 64 : index
          %get3A_384 = tpu.vector_load %arg16[%get3A_381, %get3A_382, %get3A_383] {strides = array<i32>} : memref<6x32x128xi32, #tpu.memory_space<vmem>>, vector<16xi32>,
          %bitcast3A_385 = vector.bitcast %get3A_384 : vector<16xi32> to vector<32xbf16>
          %unpack3A_386 = tpu.unpack_subelements %bitcast3A_385, 0 {pack_format = #tpu.pack_format<interleaved>} : vector<32xbf16> -> vector<16xf32>
          %unpack3A_387 = tpu.unpack_subelements %bitcast3A_385, 1 {pack_format = #tpu.pack_format<interleaved>} : vector<32xbf16> -> vector<16xf32>
          %get3A_388 = arith.index_cast %rem3A_297 : i32 to index
          %get3A_389 = arith.index_cast %add3A_376 : i32 to index
          %get3A_390 = arith.constant 0 : index
          %get3A_391 = tpu.vector_load %arg12[%get3A_388, %get3A_389, %get3A_390] {strides = array<i32>} : memref<6x32x128xf32, #tpu.memory_space<vmem>>, vector<16xf32>,
          %get3A_392 = arith.index_cast %rem3A_297 : i32 to index
          %get3A_393 = arith.index_cast %add3A_376 : i32 to index
          %get3A_394 = arith.constant 0 : index
          %get3A_395 = tpu.vector_load %arg13[%get3A_392, %get3A_393, %get3A_394] {strides = array<i32>} : memref<6x32x128xf32, #tpu.memory_space<vmem>>, vector<16xf32>,
          %get3A_396 = arith.index_cast %rem3A_297 : i32 to index
          %get3A_397 = arith.index_cast %add3A_376 : i32 to index
          %get3A_398 = arith.constant 0 : index
          %get3A_399 = tpu.vector_load %arg14[%get3A_396, %get3A_397, %get3A_398] {strides = array<i32>} : memref<6x32x128xf32, #tpu.memory_space<vmem>>, vector<16xf32>,
          %get3A_400 = arith.index_cast %rem3A_297 : i32 to index
          %get3A_401 = arith.index_cast %add3A_376 : i32 to index
          %get3A_402 = arith.constant 0 : index
          %get3A_403 = tpu.vector_load %arg15[%get3A_400, %get3A_401, %get3A_402] {strides = array<i32>} : memref<6x32x128xf32, #tpu.memory_space<vmem>>, vector<16xf32>,
          %mul3A_404 = arith.mulf %unpack3A, %get3A_399 : vector<16xf32>
          %mul3A_405 = arith.mulf %unpack3A_386, %get3A_403 : vector<16xf32>
          %add3A_406 = arith.addf %mul3A_404, %mul3A_405 : vector<16xf32>
          %mul3A_407 = arith.mulf %unpack3A, %get3A_403 : vector<16xf32>
          %mul3A_408 = arith.mulf %unpack3A_386, %get3A_399 : vector<16xf32>
          %sub3A = arith.subf %mul3A_407, %mul3A_408 : vector<16xf32>
          %mul3A_409 = arith.mulf %get3A_391, %add3A_406 : vector<16xf32>
          %mul3A_410 = arith.mulf %get3A_395, %sub3A : vector<16xf32>
          %add3A_411 = arith.addf %mul3A_409, %mul3A_410 : vector<16xf32>
          %get3A_412 = arith.index_cast %rem3A_297 : i32 to index
          %get3A_413 = arith.index_cast %add3A_376 : i32 to index
          %get3A_414 = arith.constant 16 : index
          %get3A_415 = tpu.vector_load %arg12[%get3A_412, %get3A_413, %get3A_414] {strides = array<i32>} : memref<6x32x128xf32, #tpu.memory_space<vmem>>, vector<16xf32>,
          %get3A_416 = arith.index_cast %rem3A_297 : i32 to index
          %get3A_417 = arith.index_cast %add3A_376 : i32 to index
          %get3A_418 = arith.constant 16 : index
          %get3A_419 = tpu.vector_load %arg13[%get3A_416, %get3A_417, %get3A_418] {strides = array<i32>} : memref<6x32x128xf32, #tpu.memory_space<vmem>>, vector<16xf32>,
          %get3A_420 = arith.index_cast %rem3A_297 : i32 to index
          %get3A_421 = arith.index_cast %add3A_376 : i32 to index
          %get3A_422 = arith.constant 16 : index
          %get3A_423 = tpu.vector_load %arg14[%get3A_420, %get3A_421, %get3A_422] {strides = array<i32>} : memref<6x32x128xf32, #tpu.memory_space<vmem>>, vector<16xf32>,
          %get3A_424 = arith.index_cast %rem3A_297 : i32 to index
          %get3A_425 = arith.index_cast %add3A_376 : i32 to index
          %get3A_426 = arith.constant 16 : index
          %get3A_427 = tpu.vector_load %arg15[%get3A_424, %get3A_425, %get3A_426] {strides = array<i32>} : memref<6x32x128xf32, #tpu.memory_space<vmem>>, vector<16xf32>,
          %mul3A_428 = arith.mulf %unpack3A_380, %get3A_423 : vector<16xf32>
          %mul3A_429 = arith.mulf %unpack3A_387, %get3A_427 : vector<16xf32>
          %add3A_430 = arith.addf %mul3A_428, %mul3A_429 : vector<16xf32>
          %mul3A_431 = arith.mulf %unpack3A_380, %get3A_427 : vector<16xf32>
          %mul3A_432 = arith.mulf %unpack3A_387, %get3A_423 : vector<16xf32>
          %sub3A_433 = arith.subf %mul3A_431, %mul3A_432 : vector<16xf32>
          %mul3A_434 = arith.mulf %get3A_415, %add3A_430 : vector<16xf32>
          %mul3A_435 = arith.mulf %get3A_419, %sub3A_433 : vector<16xf32>
          %add3A_436 = arith.addf %mul3A_434, %mul3A_435 : vector<16xf32>
          %add3A_437 = arith.addf %add3A_411, %add3A_436 : vector<16xf32>
          %get3A_438 = arith.index_cast %rem3A_297 : i32 to index
          %get3A_439 = arith.index_cast %add3A_376 : i32 to index
          %get3A_440 = arith.constant 16 : index
          %get3A_441 = tpu.vector_load %arg16[%get3A_438, %get3A_439, %get3A_440] {strides = array<i32>} : memref<6x32x128xi32, #tpu.memory_space<vmem>>, vector<16xi32>,
          %bitcast3A_442 = vector.bitcast %get3A_441 : vector<16xi32> to vector<32xbf16>
          %unpack3A_443 = tpu.unpack_subelements %bitcast3A_442, 0 {pack_format = #tpu.pack_format<interleaved>} : vector<32xbf16> -> vector<16xf32>
          %unpack3A_444 = tpu.unpack_subelements %bitcast3A_442, 1 {pack_format = #tpu.pack_format<interleaved>} : vector<32xbf16> -> vector<16xf32>
          %get3A_445 = arith.index_cast %rem3A_297 : i32 to index
          %get3A_446 = arith.index_cast %add3A_376 : i32 to index
          %get3A_447 = arith.constant 80 : index
          %get3A_448 = tpu.vector_load %arg16[%get3A_445, %get3A_446, %get3A_447] {strides = array<i32>} : memref<6x32x128xi32, #tpu.memory_space<vmem>>, vector<16xi32>,
          %bitcast3A_449 = vector.bitcast %get3A_448 : vector<16xi32> to vector<32xbf16>
          %unpack3A_450 = tpu.unpack_subelements %bitcast3A_449, 0 {pack_format = #tpu.pack_format<interleaved>} : vector<32xbf16> -> vector<16xf32>
          %unpack3A_451 = tpu.unpack_subelements %bitcast3A_449, 1 {pack_format = #tpu.pack_format<interleaved>} : vector<32xbf16> -> vector<16xf32>
          %get3A_452 = arith.index_cast %rem3A_297 : i32 to index
          %get3A_453 = arith.index_cast %add3A_376 : i32 to index
          %get3A_454 = arith.constant 32 : index
          %get3A_455 = tpu.vector_load %arg12[%get3A_452, %get3A_453, %get3A_454] {strides = array<i32>} : memref<6x32x128xf32, #tpu.memory_space<vmem>>, vector<16xf32>,
          %get3A_456 = arith.index_cast %rem3A_297 : i32 to index
          %get3A_457 = arith.index_cast %add3A_376 : i32 to index
          %get3A_458 = arith.constant 32 : index
          %get3A_459 = tpu.vector_load %arg13[%get3A_456, %get3A_457, %get3A_458] {strides = array<i32>} : memref<6x32x128xf32, #tpu.memory_space<vmem>>, vector<16xf32>,
          %get3A_460 = arith.index_cast %rem3A_297 : i32 to index
          %get3A_461 = arith.index_cast %add3A_376 : i32 to index
          %get3A_462 = arith.constant 32 : index
          %get3A_463 = tpu.vector_load %arg14[%get3A_460, %get3A_461, %get3A_462] {strides = array<i32>} : memref<6x32x128xf32, #tpu.memory_space<vmem>>, vector<16xf32>,
          %get3A_464 = arith.index_cast %rem3A_297 : i32 to index
          %get3A_465 = arith.index_cast %add3A_376 : i32 to index
          %get3A_466 = arith.constant 32 : index
          %get3A_467 = tpu.vector_load %arg15[%get3A_464, %get3A_465, %get3A_466] {strides = array<i32>} : memref<6x32x128xf32, #tpu.memory_space<vmem>>, vector<16xf32>,
          %mul3A_468 = arith.mulf %unpack3A_443, %get3A_463 : vector<16xf32>
          %mul3A_469 = arith.mulf %unpack3A_450, %get3A_467 : vector<16xf32>
          %add3A_470 = arith.addf %mul3A_468, %mul3A_469 : vector<16xf32>
          %mul3A_471 = arith.mulf %unpack3A_443, %get3A_467 : vector<16xf32>
          %mul3A_472 = arith.mulf %unpack3A_450, %get3A_463 : vector<16xf32>
          %sub3A_473 = arith.subf %mul3A_471, %mul3A_472 : vector<16xf32>
          %mul3A_474 = arith.mulf %get3A_455, %add3A_470 : vector<16xf32>
          %mul3A_475 = arith.mulf %get3A_459, %sub3A_473 : vector<16xf32>
          %add3A_476 = arith.addf %mul3A_474, %mul3A_475 : vector<16xf32>
          %add3A_477 = arith.addf %add3A_437, %add3A_476 : vector<16xf32>
          %get3A_478 = arith.index_cast %rem3A_297 : i32 to index
          %get3A_479 = arith.index_cast %add3A_376 : i32 to index
          %get3A_480 = arith.constant 48 : index
          %get3A_481 = tpu.vector_load %arg12[%get3A_478, %get3A_479, %get3A_480] {strides = array<i32>} : memref<6x32x128xf32, #tpu.memory_space<vmem>>, vector<16xf32>,
          %get3A_482 = arith.index_cast %rem3A_297 : i32 to index
          %get3A_483 = arith.index_cast %add3A_376 : i32 to index
          %get3A_484 = arith.constant 48 : index
          %get3A_485 = tpu.vector_load %arg13[%get3A_482, %get3A_483, %get3A_484] {strides = array<i32>} : memref<6x32x128xf32, #tpu.memory_space<vmem>>, vector<16xf32>,
          %get3A_486 = arith.index_cast %rem3A_297 : i32 to index
          %get3A_487 = arith.index_cast %add3A_376 : i32 to index
          %get3A_488 = arith.constant 48 : index
          %get3A_489 = tpu.vector_load %arg14[%get3A_486, %get3A_487, %get3A_488] {strides = array<i32>} : memref<6x32x128xf32, #tpu.memory_space<vmem>>, vector<16xf32>,
          %get3A_490 = arith.index_cast %rem3A_297 : i32 to index
          %get3A_491 = arith.index_cast %add3A_376 : i32 to index
          %get3A_492 = arith.constant 48 : index
          %get3A_493 = tpu.vector_load %arg15[%get3A_490, %get3A_491, %get3A_492] {strides = array<i32>} : memref<6x32x128xf32, #tpu.memory_space<vmem>>, vector<16xf32>,
          %mul3A_494 = arith.mulf %unpack3A_444, %get3A_489 : vector<16xf32>
          %mul3A_495 = arith.mulf %unpack3A_451, %get3A_493 : vector<16xf32>
          %add3A_496 = arith.addf %mul3A_494, %mul3A_495 : vector<16xf32>
          %mul3A_497 = arith.mulf %unpack3A_444, %get3A_493 : vector<16xf32>
          %mul3A_498 = arith.mulf %unpack3A_451, %get3A_489 : vector<16xf32>
          %sub3A_499 = arith.subf %mul3A_497, %mul3A_498 : vector<16xf32>
          %mul3A_500 = arith.mulf %get3A_481, %add3A_496 : vector<16xf32>
          %mul3A_501 = arith.mulf %get3A_485, %sub3A_499 : vector<16xf32>
          %add3A_502 = arith.addf %mul3A_500, %mul3A_501 : vector<16xf32>
          %add3A_503 = arith.addf %add3A_477, %add3A_502 : vector<16xf32>
          %get3A_504 = arith.index_cast %rem3A_297 : i32 to index
          %get3A_505 = arith.index_cast %add3A_376 : i32 to index
          %get3A_506 = arith.constant 32 : index
          %get3A_507 = tpu.vector_load %arg16[%get3A_504, %get3A_505, %get3A_506] {strides = array<i32>} : memref<6x32x128xi32, #tpu.memory_space<vmem>>, vector<16xi32>,
          %bitcast3A_508 = vector.bitcast %get3A_507 : vector<16xi32> to vector<32xbf16>
          %unpack3A_509 = tpu.unpack_subelements %bitcast3A_508, 0 {pack_format = #tpu.pack_format<interleaved>} : vector<32xbf16> -> vector<16xf32>
          %unpack3A_510 = tpu.unpack_subelements %bitcast3A_508, 1 {pack_format = #tpu.pack_format<interleaved>} : vector<32xbf16> -> vector<16xf32>
          %get3A_511 = arith.index_cast %rem3A_297 : i32 to index
          %get3A_512 = arith.index_cast %add3A_376 : i32 to index
          %get3A_513 = arith.constant 96 : index
          %get3A_514 = tpu.vector_load %arg16[%get3A_511, %get3A_512, %get3A_513] {strides = array<i32>} : memref<6x32x128xi32, #tpu.memory_space<vmem>>, vector<16xi32>,
          %bitcast3A_515 = vector.bitcast %get3A_514 : vector<16xi32> to vector<32xbf16>
          %unpack3A_516 = tpu.unpack_subelements %bitcast3A_515, 0 {pack_format = #tpu.pack_format<interleaved>} : vector<32xbf16> -> vector<16xf32>
          %unpack3A_517 = tpu.unpack_subelements %bitcast3A_515, 1 {pack_format = #tpu.pack_format<interleaved>} : vector<32xbf16> -> vector<16xf32>
          %get3A_518 = arith.index_cast %rem3A_297 : i32 to index
          %get3A_519 = arith.index_cast %add3A_376 : i32 to index
          %get3A_520 = arith.constant 64 : index
          %get3A_521 = tpu.vector_load %arg12[%get3A_518, %get3A_519, %get3A_520] {strides = array<i32>} : memref<6x32x128xf32, #tpu.memory_space<vmem>>, vector<16xf32>,
          %get3A_522 = arith.index_cast %rem3A_297 : i32 to index
          %get3A_523 = arith.index_cast %add3A_376 : i32 to index
          %get3A_524 = arith.constant 64 : index
          %get3A_525 = tpu.vector_load %arg13[%get3A_522, %get3A_523, %get3A_524] {strides = array<i32>} : memref<6x32x128xf32, #tpu.memory_space<vmem>>, vector<16xf32>,
          %get3A_526 = arith.index_cast %rem3A_297 : i32 to index
          %get3A_527 = arith.index_cast %add3A_376 : i32 to index
          %get3A_528 = arith.constant 64 : index
          %get3A_529 = tpu.vector_load %arg14[%get3A_526, %get3A_527, %get3A_528] {strides = array<i32>} : memref<6x32x128xf32, #tpu.memory_space<vmem>>, vector<16xf32>,
          %get3A_530 = arith.index_cast %rem3A_297 : i32 to index
          %get3A_531 = arith.index_cast %add3A_376 : i32 to index
          %get3A_532 = arith.constant 64 : index
          %get3A_533 = tpu.vector_load %arg15[%get3A_530, %get3A_531, %get3A_532] {strides = array<i32>} : memref<6x32x128xf32, #tpu.memory_space<vmem>>, vector<16xf32>,
          %mul3A_534 = arith.mulf %unpack3A_509, %get3A_529 : vector<16xf32>
          %mul3A_535 = arith.mulf %unpack3A_516, %get3A_533 : vector<16xf32>
          %add3A_536 = arith.addf %mul3A_534, %mul3A_535 : vector<16xf32>
          %mul3A_537 = arith.mulf %unpack3A_509, %get3A_533 : vector<16xf32>
          %mul3A_538 = arith.mulf %unpack3A_516, %get3A_529 : vector<16xf32>
          %sub3A_539 = arith.subf %mul3A_537, %mul3A_538 : vector<16xf32>
          %mul3A_540 = arith.mulf %get3A_521, %add3A_536 : vector<16xf32>
          %mul3A_541 = arith.mulf %get3A_525, %sub3A_539 : vector<16xf32>
          %add3A_542 = arith.addf %mul3A_540, %mul3A_541 : vector<16xf32>
          %add3A_543 = arith.addf %add3A_503, %add3A_542 : vector<16xf32>
          %get3A_544 = arith.index_cast %rem3A_297 : i32 to index
          %get3A_545 = arith.index_cast %add3A_376 : i32 to index
          %get3A_546 = arith.constant 80 : index
          %get3A_547 = tpu.vector_load %arg12[%get3A_544, %get3A_545, %get3A_546] {strides = array<i32>} : memref<6x32x128xf32, #tpu.memory_space<vmem>>, vector<16xf32>,
          %get3A_548 = arith.index_cast %rem3A_297 : i32 to index
          %get3A_549 = arith.index_cast %add3A_376 : i32 to index
          %get3A_550 = arith.constant 80 : index
          %get3A_551 = tpu.vector_load %arg13[%get3A_548, %get3A_549, %get3A_550] {strides = array<i32>} : memref<6x32x128xf32, #tpu.memory_space<vmem>>, vector<16xf32>,
          %get3A_552 = arith.index_cast %rem3A_297 : i32 to index
          %get3A_553 = arith.index_cast %add3A_376 : i32 to index
          %get3A_554 = arith.constant 80 : index
          %get3A_555 = tpu.vector_load %arg14[%get3A_552, %get3A_553, %get3A_554] {strides = array<i32>} : memref<6x32x128xf32, #tpu.memory_space<vmem>>, vector<16xf32>,
          %get3A_556 = arith.index_cast %rem3A_297 : i32 to index
          %get3A_557 = arith.index_cast %add3A_376 : i32 to index
          %get3A_558 = arith.constant 80 : index
          %get3A_559 = tpu.vector_load %arg15[%get3A_556, %get3A_557, %get3A_558] {strides = array<i32>} : memref<6x32x128xf32, #tpu.memory_space<vmem>>, vector<16xf32>,
          %mul3A_560 = arith.mulf %unpack3A_510, %get3A_555 : vector<16xf32>
          %mul3A_561 = arith.mulf %unpack3A_517, %get3A_559 : vector<16xf32>
          %add3A_562 = arith.addf %mul3A_560, %mul3A_561 : vector<16xf32>
          %mul3A_563 = arith.mulf %unpack3A_510, %get3A_559 : vector<16xf32>
          %mul3A_564 = arith.mulf %unpack3A_517, %get3A_555 : vector<16xf32>
          %sub3A_565 = arith.subf %mul3A_563, %mul3A_564 : vector<16xf32>
          %mul3A_566 = arith.mulf %get3A_547, %add3A_562 : vector<16xf32>
          %mul3A_567 = arith.mulf %get3A_551, %sub3A_565 : vector<16xf32>
          %add3A_568 = arith.addf %mul3A_566, %mul3A_567 : vector<16xf32>
          %add3A_569 = arith.addf %add3A_543, %add3A_568 : vector<16xf32>
          %get3A_570 = arith.index_cast %rem3A_297 : i32 to index
          %get3A_571 = arith.index_cast %add3A_376 : i32 to index
          %get3A_572 = arith.constant 48 : index
          %get3A_573 = tpu.vector_load %arg16[%get3A_570, %get3A_571, %get3A_572] {strides = array<i32>} : memref<6x32x128xi32, #tpu.memory_space<vmem>>, vector<16xi32>,
          %bitcast3A_574 = vector.bitcast %get3A_573 : vector<16xi32> to vector<32xbf16>
          %unpack3A_575 = tpu.unpack_subelements %bitcast3A_574, 0 {pack_format = #tpu.pack_format<interleaved>} : vector<32xbf16> -> vector<16xf32>
          %unpack3A_576 = tpu.unpack_subelements %bitcast3A_574, 1 {pack_format = #tpu.pack_format<interleaved>} : vector<32xbf16> -> vector<16xf32>
          %get3A_577 = arith.index_cast %rem3A_297 : i32 to index
          %get3A_578 = arith.index_cast %add3A_376 : i32 to index
          %get3A_579 = arith.constant 112 : index
          %get3A_580 = tpu.vector_load %arg16[%get3A_577, %get3A_578, %get3A_579] {strides = array<i32>} : memref<6x32x128xi32, #tpu.memory_space<vmem>>, vector<16xi32>,
          %bitcast3A_581 = vector.bitcast %get3A_580 : vector<16xi32> to vector<32xbf16>
          %unpack3A_582 = tpu.unpack_subelements %bitcast3A_581, 0 {pack_format = #tpu.pack_format<interleaved>} : vector<32xbf16> -> vector<16xf32>
          %unpack3A_583 = tpu.unpack_subelements %bitcast3A_581, 1 {pack_format = #tpu.pack_format<interleaved>} : vector<32xbf16> -> vector<16xf32>
          %get3A_584 = arith.index_cast %rem3A_297 : i32 to index
          %get3A_585 = arith.index_cast %add3A_376 : i32 to index
          %get3A_586 = arith.constant 96 : index
          %get3A_587 = tpu.vector_load %arg12[%get3A_584, %get3A_585, %get3A_586] {strides = array<i32>} : memref<6x32x128xf32, #tpu.memory_space<vmem>>, vector<16xf32>,
          %get3A_588 = arith.index_cast %rem3A_297 : i32 to index
          %get3A_589 = arith.index_cast %add3A_376 : i32 to index
          %get3A_590 = arith.constant 96 : index
          %get3A_591 = tpu.vector_load %arg13[%get3A_588, %get3A_589, %get3A_590] {strides = array<i32>} : memref<6x32x128xf32, #tpu.memory_space<vmem>>, vector<16xf32>,
          %get3A_592 = arith.index_cast %rem3A_297 : i32 to index
          %get3A_593 = arith.index_cast %add3A_376 : i32 to index
          %get3A_594 = arith.constant 96 : index
          %get3A_595 = tpu.vector_load %arg14[%get3A_592, %get3A_593, %get3A_594] {strides = array<i32>} : memref<6x32x128xf32, #tpu.memory_space<vmem>>, vector<16xf32>,
          %get3A_596 = arith.index_cast %rem3A_297 : i32 to index
          %get3A_597 = arith.index_cast %add3A_376 : i32 to index
          %get3A_598 = arith.constant 96 : index
          %get3A_599 = tpu.vector_load %arg15[%get3A_596, %get3A_597, %get3A_598] {strides = array<i32>} : memref<6x32x128xf32, #tpu.memory_space<vmem>>, vector<16xf32>,
          %mul3A_600 = arith.mulf %unpack3A_575, %get3A_595 : vector<16xf32>
          %mul3A_601 = arith.mulf %unpack3A_582, %get3A_599 : vector<16xf32>
          %add3A_602 = arith.addf %mul3A_600, %mul3A_601 : vector<16xf32>
          %mul3A_603 = arith.mulf %unpack3A_575, %get3A_599 : vector<16xf32>
          %mul3A_604 = arith.mulf %unpack3A_582, %get3A_595 : vector<16xf32>
          %sub3A_605 = arith.subf %mul3A_603, %mul3A_604 : vector<16xf32>
          %mul3A_606 = arith.mulf %get3A_587, %add3A_602 : vector<16xf32>
          %mul3A_607 = arith.mulf %get3A_591, %sub3A_605 : vector<16xf32>
          %add3A_608 = arith.addf %mul3A_606, %mul3A_607 : vector<16xf32>
          %add3A_609 = arith.addf %add3A_569, %add3A_608 : vector<16xf32>
          %get3A_610 = arith.index_cast %rem3A_297 : i32 to index
          %get3A_611 = arith.index_cast %add3A_376 : i32 to index
          %get3A_612 = arith.constant 112 : index
          %get3A_613 = tpu.vector_load %arg12[%get3A_610, %get3A_611, %get3A_612] {strides = array<i32>} : memref<6x32x128xf32, #tpu.memory_space<vmem>>, vector<16xf32>,
          %get3A_614 = arith.index_cast %rem3A_297 : i32 to index
          %get3A_615 = arith.index_cast %add3A_376 : i32 to index
          %get3A_616 = arith.constant 112 : index
          %get3A_617 = tpu.vector_load %arg13[%get3A_614, %get3A_615, %get3A_616] {strides = array<i32>} : memref<6x32x128xf32, #tpu.memory_space<vmem>>, vector<16xf32>,
          %get3A_618 = arith.index_cast %rem3A_297 : i32 to index
          %get3A_619 = arith.index_cast %add3A_376 : i32 to index
          %get3A_620 = arith.constant 112 : index
          %get3A_621 = tpu.vector_load %arg14[%get3A_618, %get3A_619, %get3A_620] {strides = array<i32>} : memref<6x32x128xf32, #tpu.memory_space<vmem>>, vector<16xf32>,
          %get3A_622 = arith.index_cast %rem3A_297 : i32 to index
          %get3A_623 = arith.index_cast %add3A_376 : i32 to index
          %get3A_624 = arith.constant 112 : index
          %get3A_625 = tpu.vector_load %arg15[%get3A_622, %get3A_623, %get3A_624] {strides = array<i32>} : memref<6x32x128xf32, #tpu.memory_space<vmem>>, vector<16xf32>,
          %mul3A_626 = arith.mulf %unpack3A_576, %get3A_621 : vector<16xf32>
          %mul3A_627 = arith.mulf %unpack3A_583, %get3A_625 : vector<16xf32>
          %add3A_628 = arith.addf %mul3A_626, %mul3A_627 : vector<16xf32>
          %mul3A_629 = arith.mulf %unpack3A_576, %get3A_625 : vector<16xf32>
          %mul3A_630 = arith.mulf %unpack3A_583, %get3A_621 : vector<16xf32>
          %sub3A_631 = arith.subf %mul3A_629, %mul3A_630 : vector<16xf32>
          %mul3A_632 = arith.mulf %get3A_613, %add3A_628 : vector<16xf32>
          %mul3A_633 = arith.mulf %get3A_617, %sub3A_631 : vector<16xf32>
          %add3A_634 = arith.addf %mul3A_632, %mul3A_633 : vector<16xf32>
          %add3A_635 = arith.addf %add3A_609, %add3A_634 : vector<16xf32>
          %reduce_sum3A = arith.constant true
          %reduce_sum3A_636 = vector.broadcast %reduce_sum3A : i1 to vector<16xi1>
          %reduce_sum3A_637 = tpu.scan <sum>, %add3A_635 masked %reduce_sum3A_636 : vector<16xf32>, vector<16xi1> -> vector<16xf32>
          %reduce_sum3A_638 = vector.extract %reduce_sum3A_637[15] : f32 from vector<16xf32>
          %eq3A = vector.broadcast %scan3A_372 : i32 to vector<16xi32>
          %eq3A_639 = arith.cmpi eq, %iota3A, %eq3A : vector<16xi32>
          %broadcast_in_dim3A_640 = vector.broadcast %reduce_sum3A_638 : f32 to vector<16xf32>
          %select_n3A = arith.select %eq3A_639, %broadcast_in_dim3A_640, %scan3A_373 : vector<16xi1>, vector<16xf32>
          scf.yield %select_n3A : vector<16xf32>
        }
        %scan3A_365 = arith.constant 16 : i32
        %mul3A_366 = arith.constant 32 : i32
        %mul3A_367 = arith.muli %scan3A_296, %mul3A_366 : i32
        %mul3A_368 = arith.constant 16 : i32
        %mul3A_369 = arith.muli %scan3A_358, %mul3A_368 : i32
        %add3A_370 = arith.addi %mul3A_367, %mul3A_369 : i32
        %swap3A = arith.index_cast %add3A_370 : i32 to index
        %swap3A_371 = tpu.vector_load %arg17[%swap3A] {strides = array<i32>} : memref<512xf32, #tpu.memory_space<vmem>>, vector<16xf32>,
        tpu.vector_store %arg17[%swap3A], %scan3A_364 {strides = array<i32>} : memref<512xf32, #tpu.memory_space<vmem>>, vector<16xf32>,
      }
      %scan3A_357 = arith.constant 2 : i32
    }
    %scan3A_295 = arith.constant 16 : i32
    "tpu.region"() ({
      %run_scoped3A = tpu.sem_alloc : memref<!tpu.dma_semaphore, #tpu.memory_space<semaphore_mem>>
      %dma_start3A_296 = tpu.memref_slice %arg8[%mul3A_2] : memref<16384xf32, #tpu.memory_space<hbm>> -> memref<512xf32, #tpu.memory_space<hbm>>
      %dma_start3A_297 = tpu.memref_slice %arg8[%mul3A_2] : memref<16384xf32, #tpu.memory_space<hbm>> -> memref<512xf32, #tpu.memory_space<hbm>>
      tpu.enqueue_dma source(%arg17 : memref<512xf32, #tpu.memory_space<vmem>>) target(%dma_start3A_297 : memref<512xf32, #tpu.memory_space<hbm>>) target_semaphore(%run_scoped3A : memref<!tpu.dma_semaphore, #tpu.memory_space<semaphore_mem>>)
      %dma_wait3A_298 = tpu.memref_slice %arg8[%mul3A_2] : memref<16384xf32, #tpu.memory_space<hbm>> -> memref<512xf32, #tpu.memory_space<hbm>>
      %dma_wait3A_299 = tpu.memref_slice %arg8[%mul3A_2] : memref<16384xf32, #tpu.memory_space<hbm>> -> memref<512xf32, #tpu.memory_space<hbm>>
      tpu.wait_dma2 semaphore(%run_scoped3A : memref<!tpu.dma_semaphore, #tpu.memory_space<semaphore_mem>>) src(%arg17 : memref<512xf32, #tpu.memory_space<vmem>>) dst(%dma_wait3A_299 : memref<512xf32, #tpu.memory_space<hbm>>)
      tpu.yield
    }) : () -> ()
    return
  }
}

</mosaic_0001>

<sc_bundles>
// kernel: _score.3.cloned.1.call-start
scs
__scs_entry_jumppad:
0x0: {  	(pc) =	sbr.rel $0x88, $3  }
0x1: {  	(tag) =	ssettag $0x0;
	lr =	simm.s32 $0x1  }
0x2: {  	[smem:$0x3F9A] =	sst lr;
	_ =	strace $0xD0000000  }
0x3: {  	_ = 	snop  }
0x4: {  	_ = 	snop  }
0x5: {  	_ = 	snop  }
0x6: {  	_ = 	snop  }
0x7: {  	_ = 	snop  }
__scs_overlays_trampoline_lowered:
0x8: {  	[smem:$0x3FA9] =	sst s0  }
0x9: {  	[smem:$0x3FAA] =	sst s1  }
0xa: {  	[smem:$0x3FAB] =	sst s2  }
0xb: {  	[smem:$0x3FAC] =	sst s3  }
0xc: {  	[smem:$0x3FAD] =	sst s4  }
0xd: {  	[smem:$0x3FAE] =	sst s5  }
0xe: {  	[smem:$0x3FAF] =	sst s6  }
0xf: {  	[smem:$0x3FB0] =	sst s7  }
0x10: {  	[smem:$0x3FB1] =	sst s8  }
0x11: {  	[smem:$0x3FB2] =	sst s9;
	s0 =	simm.s32 @!p0 $0x0  }
0x12: {  	s1 =	sld [smem:$0x3F98];
	s0 =	simm.s32 @p0 $0x1  }
0x13: {  	[smem:$0x3FB3] =	sst s0;
	s0 =	simm.s32 @!p1 $0x0  }
0x14: {  	s2 =	sld [smem:$0x3F97];
	s0 =	simm.s32 @p1 $0x1  }
0x15: {  	[smem:$0x3FB4] =	sst s0;
	s0 =	simm.s32 @!p2 $0x0  }
0x16: {  	s3 =	sld [smem:$0x3FDB];
	s0 =	simm.s32 @p2 $0x1  }
0x17: {  	s4 =	simm.s32 $0x1BF5;
	[smem:$0x3FB6] =	sst s0  }
0x18: {  	s0 =	sld [smem:$0x3F99];
	_ =	swait.ge [sflag:s4], $0x0  }
0x19: {  	s7 =	sld [smem:$0x3F9A]  }
0x1a: {  	s8 =	sadd.s32 $0xFFFFE003, lr  }
0x1b: {  	s9 =	sadd.s32 $0xFFFFFEF7, lr;
	s5 =	simm.s32 $0xFFFFFFFF;
	p2 =	slt.u32 s8, $0xFFFFF086  }
0x1c: {  	p1 =	slt.u32 s9, $0xF7A;
	s5 =	simm.s32 @!p2 $0x0  }
0x1d: {  	s5 =	simm.s32 @p1 $0x1;
	p0 =	seq.s32 s7, s2  }
0x1e: {  	s7 =	smul.u32 @!p0 $0xF7A, s2;
	p2 =	seq.s32 @!p0 s5, $0x0  }
0x1f: {  	s9 =	smul.u32 $0xF7A, s1;
	s8 =	simm.s32 @!p0 $0x1BF5;
	p2 =	por !p2, p0  }
0x20: {  	[sflag:s8] =	ssyncset.s32 @!p0 $0xFFFFF086;
	s6 =	sadd.s32 @!p0 s3, s7;
	s7 =	simm.s32 @!p0 $0x108  }
0x21: {  	s3 =	sadd.s32 s3, s9;
	s6 =	sadd.s32 @!p0 $0x88, s6;
	s7 =	simm.s32 @p2 $0x1082  }
0x22: {  	[simem:s7], [sflag:s8] =	dma.local @!p0 [hbm:s6], $0xF7A  }
0x23: {  	s9 =	sor.u32 $0xD0000000, s2;
	s6 =	simm.s32 $0x108;
	_ =	swait.ge @!p0 [sflag:s8], $0x0  }
0x24: {  	s3 =	sadd.s32 $0x88, s3;
	s6 =	simm.s32 @!p1 $0x1082;
	[sflag:s4] =	ssyncset.s32 $0xFFFFF086  }
0x25: {  	[simem:s6], [sflag:s4] =	dma.local [hbm:s3], $0xF7A  }
0x26: {  	[smem:$0x3F9A] =	sst s1;
	(tag) =	ssettag s2;
	_ =	strace s9  }
0x27: {  	s1 =	sld [smem:$0x3FAA]  }
0x28: {  	s2 =	sld [smem:$0x3FAB]  }
0x29: {  	s4 =	sld [smem:$0x3FAD]  }
0x2a: {  	p0 =	seq.s32 s5, $0x0;
	s5 =	sld [smem:$0x3FAE]  }
0x2b: {  	s6 =	sld [smem:$0x3FAF]  }
0x2c: {  	s7 =	sld [smem:$0x3FB0]  }
0x2d: {  	s3 =	simm.s32 $0x108;
	s8 =	sld [smem:$0x3FB1]  }
0x2e: {  	s3 =	simm.s32 @!p0 $0x1082;
	s9 =	sld [smem:$0x3FB2]  }
0x2f: {  	lr =	sadd.s32 s0, s3;
	s0 =	sld [smem:$0x3FA9]  }
0x30: {  	s3 =	sld [smem:$0x3FAC]  }
0x31: {  	[smem:$0x3FB5] =	sst s10  }
0x32: {  	s10 =	sld [smem:$0x3FB3];
	_ =	sdelay $0x3  }
0x33: {  	p0 =	seq.s32 s10, $0x1;
	s10 =	sld [smem:$0x3FB5];
	_ =	sdelay $0x3  }
0x34: {  	[smem:$0x3FB5] =	sst s10  }
0x35: {  	s10 =	sld [smem:$0x3FB4];
	_ =	sdelay $0x3  }
0x36: {  	p1 =	seq.s32 s10, $0x1;
	s10 =	sld [smem:$0x3FB5];
	_ =	sdelay $0x3  }
0x37: {  	[smem:$0x3FB5] =	sst s10  }
0x38: {  	s10 =	sld [smem:$0x3FB6]  }
0x39: {  	_ = 	snop;
	(pc) =	sbr.ind lr, $3  }
0x3a: {  	_ = 	snop  }
0x3b: {  	_ = 	snop  }
0x3c: {  	p2 =	seq.s32 s10, $0x1;
	s10 =	sld [smem:$0x3FB5]  }
0x3d: {  	_ =	shalt  }
0x3e: {  	_ =	shalt  }
0x3f: {  	_ =	shalt  }
0x40: {  	_ =	shalt  }
0x41: {  	_ =	shalt  }
0x42: {  	_ =	shalt  }
0x43: {  	_ =	shalt  }
0x44: {  	_ =	shalt  }
0x45: {  	_ =	shalt  }
0x46: {  	_ =	shalt  }
0x47: {  	_ =	shalt  }
0x48: {  	_ =	shalt  }
0x49: {  	_ =	shalt  }
0x4a: {  	_ =	shalt  }
0x4b: {  	_ =	shalt  }
0x4c: {  	_ =	shalt  }
0x4d: {  	_ =	shalt  }
0x4e: {  	_ =	shalt  }
0x4f: {  	_ =	shalt  }
0x50: {  	_ =	shalt  }
0x51: {  	_ =	shalt  }
0x52: {  	_ =	shalt  }
0x53: {  	_ =	shalt  }
0x54: {  	_ =	shalt  }
0x55: {  	_ =	shalt  }
0x56: {  	_ =	shalt  }
0x57: {  	_ =	shalt  }
0x58: {  	_ =	shalt  }
0x59: {  	_ =	shalt  }
0x5a: {  	_ =	shalt  }
0x5b: {  	_ =	shalt  }
0x5c: {  	_ =	shalt  }
0x5d: {  	_ =	shalt  }
0x5e: {  	_ =	shalt  }
0x5f: {  	_ =	shalt  }
0x60: {  	_ =	shalt  }
0x61: {  	_ =	shalt  }
0x62: {  	_ =	shalt  }
0x63: {  	_ =	shalt  }
0x64: {  	_ =	shalt  }
0x65: {  	_ =	shalt  }
0x66: {  	_ =	shalt  }
0x67: {  	_ =	shalt  }
0x68: {  	_ =	shalt  }
0x69: {  	_ =	shalt  }
0x6a: {  	_ =	shalt  }
0x6b: {  	_ =	shalt  }
0x6c: {  	_ =	shalt  }
0x6d: {  	_ =	shalt  }
0x6e: {  	_ =	shalt  }
0x6f: {  	_ =	shalt  }
0x70: {  	_ =	shalt  }
0x71: {  	_ =	shalt  }
0x72: {  	_ =	shalt  }
0x73: {  	_ =	shalt  }
0x74: {  	_ =	shalt  }
0x75: {  	_ =	shalt  }
0x76: {  	_ =	shalt  }
0x77: {  	_ =	shalt  }
0x78: {  	_ =	shalt  }
0x79: {  	_ =	shalt  }
0x7a: {  	_ =	shalt  }
0x7b: {  	_ =	shalt  }
0x7c: {  	_ =	shalt  }
0x7d: {  	_ =	shalt  }
0x7e: {  	_ =	shalt  }
0x7f: {  	_ =	shalt  }
0x80: {  	_ =	shalt  }
0x81: {  	_ =	shalt  }
0x82: {  	_ =	shalt  }
0x83: {  	_ =	shalt  }
0x84: {  	_ =	shalt  }
0x85: {  	_ =	shalt  }
0x86: {  	_ =	shalt  }
0x87: {  	_ =	shalt  }
.Lfunc_end0:
.L_simem_size_0:
called_computation_lowered:
.L_overlay_start_0:
0x88: {  	s2 =	sld [smem:$0x3FD9]  }
0x89: {  	s3 =	sld [smem:$0x3FFE];
	_ =	sdelay $0x1  }
0x8a: {  	s1 =	srdreg.scid  }
0x8b: {  	s0 =	sand.u32 $0x1, s1  }
0x8c: {  	s17 =	sshll.u32 s0, $0xA;
	s2 =	sadd.s32 s3, s2  }
0x8d: {  	s2 =	sadd.s32 s2, s17  }
0x8e: {  	[smem:$0x3FC1] =	sst s2  }
0x8f: {  	_ = 	snop  }
0x90: {  	s2 =	sld [smem:$0x3FC9]  }
0x91: {  	s18 =	sld [smem:$0x3FC8]  }
0x92: {  	s4 =	sld [smem:$0x3FC7]  }
0x93: {  	s5 =	sld [smem:$0x3FC6]  }
0x94: {  	s6 =	sld [smem:$0x3FC5]  }
0x95: {  	s7 =	sld [smem:$0x3FD0];
	(tm) =	ssettm $0x1  }
0x96: {  	s8 =	sld [smem:$0x3FFB];
	_ =	sdelay $0x3  }
0x97: {  	_ =	strace s8  }
0x98: {  	s8 =	sld [smem:$0x3FFC];
	_ =	sdelay $0x3  }
0x99: {  	_ =	strace s8  }
0x9a: {  	s8 =	sld [smem:$0x3FFD];
	_ =	sdelay $0x3  }
0x9b: {  	_ =	strace s8  }
0x9c: {  	_ =	strace $0x8FFFFFFF  }
0x9d: {  	s19 =	sld [smem:$0x3FDB];
	_ =	sdelay $0x1  }
0x9e: {  	s9 =	simm.s32 $_scs_section_size  }
0x9f: {  	s10 =	simm.s32 $_size__tile_overlayer_lowered;
	s11 =	simm.s32 $_tile_overlayer_lowered  }
0xa0: {  	s22 =	simm.s32 $0x1BFF;
	s21 =	sshll.u32 s11, $0x1;
	s8 =	sadd.s32 s9, s19  }
0xa1: {  	s12 =	simm.s32 $0x0;
	s20 =	sshll.u32 s10, $0x1;
	s10 =	sadd.s32 s21, s8  }
0xa2: {  	[timem:s12], [sflag:s22] =	dma.local [hbm:s10], s20  }
0xa3: {  	_ =	swait.ge [sflag:s22], s20  }
0xa4: {  	s9 =	ssub.s32 $0x0, s20;
	[sflag:s22] =	ssyncset.done $0x0  }
0xa5: {  	[sflag:s22] =	ssyncadd.s32 s9;
	_ =	sdelay $0x1  }
0xa6: {  	s23 =	simm.s32 $0x1B8B  }
0xa7: {  	_ =	swait.ge [sflag:s23], $0x1  }
0xa8: {  	[sflag:s23] =	ssyncset.done $0x0  }
0xa9: {  	s25 =	simm.s32 $0x1B8E;
	s24 =	sld [smem:$0x3FFE];
	[sflag:s23] =	ssyncadd.s32 $0xFFFFFFFF  }
0xaa: {  	s26 =	simm.s32 $execute0_lowered;
	[smem:$0x3FD2] =	sst s25  }
0xab: {  	s10 =	sshll.u32 s26, $0x1;
	_ =	strace $0x80000046;
	[dreg:$0x1] =	wrdreg $0xFFFFFFFF  }
0xac: {  	s28 =	simm.s32 $_size_execute0_lowered;
	s8 =	sadd.s32 s8, s10;
	[dreg:$0x0] =	wrdreg $0x0  }
0xad: {  	s10 =	sshll.u32 s28, $0x1;
	[dreg:$0x2] =	wrdreg s8  }
0xae: {  	[dreg:$0x3] =	wrdreg s10  }
0xaf: {  	[dreg:$0x4] =	wrdreg $0xC0  }
0xb0: {  	_ =	task [dreg:s12], $0x5FFFF  }
0xb1: {  	[dreg:$0x1] =	wrdreg $0xFFFFFFFF  }
0xb2: {  	[dreg:$0x0] =	wrdreg $0x60  }
0xb3: {  	[dreg:$0x2] =	wrdreg s2  }
0xb4: {  	[dreg:$0x3] =	wrdreg s18  }
0xb5: {  	[dreg:$0x4] =	wrdreg s4  }
0xb6: {  	[dreg:$0x5] =	wrdreg s5  }
0xb7: {  	[dreg:$0x6] =	wrdreg s6  }
0xb8: {  	[dreg:$0x7] =	wrdreg s24  }
0xb9: {  	[dreg:$0x8] =	wrdreg s7  }
0xba: {  	[dreg:$0x9] =	wrdreg $0x9  }
0xbb: {  	_ =	task.clear_ibuf [dreg:s12], $0xAFFFF;
	_ =	strace $0x90000046  }
0xbc: {  	s29 =	simm.s32 $0x9;
	_ =	strace $0x80000048  }
0xbd: {  	_ =	swait.ge [sflag:s29], $0x1  }
0xbe: {  	[sflag:s29] =	ssyncadd.s32 $0xFFFFFFFF  }
0xbf: {  	_ =	strace $0x90000048  }
0xc0: {  	_ =	sfence  }
0xc1: {  	s30 =	sld [smem:$0x0];
	_ =	sdelay $0x2  }
0xc2: {  	s31 =	sshll.u32 s1, $0xD;
	s1 =	sshrl.u32 s1, $0x2  }
0xc3: {  	s3 =	sand.u32 $0x4000, s31;
	s1 =	sadd.s32 s1, s30  }
0xc4: {  	s0 =	sor.u32 s3, s0;
	s1 =	sshll.u32 s1, $0x11  }
0xc5: {  	s0 =	sor.u32 s1, s0  }
0xc6: {  	s0 =	sadd.s32 $0x8F2B, s0  }
0xc7: {  	[sflag:s0] =	ssyncadd.remote.s32 $0x1  }
0xc8: {  	_ =	sfence.sel $0xFFFF  }
0xc9: {  	[dreg:$0x0] =	wrdreg $0xFFFFFFFF;
	(pc) =	sbr.abs _section_cstart, $3  }
0xca: {  	[dreg:$0x1] =	wrdreg $0xFFFFFFFF  }
0xcb: {  	_ =	task.clear_ibuf [dreg:s12], $0x2FFFF;
	_ =	strace $0x9FFFFFFF  }
0xcc: {  	(tm) =	ssettm $0x7FFFFFFF  }
0xcd: {  	_ =	shalt  }
tec
execute0_lowered:
.L_overlay_start_1:
0x0: {  	(tag) =	ssettag $0x1  }
0x1: {  	s0 =	rddreg [dreg:$0x0]  }
0x2: {  	s4 =	rddreg [dreg:$0x1]  }
0x3: {  	s8 =	rddreg [dreg:$0x2]  }
0x4: {  	s1 =	rddreg [dreg:$0x3]  }
0x5: {  	s2 =	rddreg [dreg:$0x4]  }
0x6: {  	s3 =	rddreg [dreg:$0x5]  }
0x7: {  	s9 =	rddreg [dreg:$0x6];
	s6 =	srdreg.scid  }
0x8: {  	s5 =	simm.s32 $0x0;
	s11 =	stileid.u32;
	s12 =	simm.s32 $0x400  }
0x9: {  	s13 =	simm.s32 $0x1;
	s14 =	simm.s32 $0x20;
	s22 =	simm.s32 $0x420  }
0xa: {  	s30 =	simm.s32 $0x440;
	s16 =	simm.s32 $0x60;
	s19 =	simm.s32 $0x460  }
0xb: {  	s25 =	simm.s32 $0x1E600;
	s26 =	simm.s32 $0x7;
	s6 =	sand.u32 $0x1, s6  }
0xc: {  	s28 =	simm.s32 $0x0;
	[smem:$0x7FF] =	sst s5;
	s7 =	ssub.s32 $0x2, s6  }
0xd: {  	s11 =	sshll.u32 s11, $0x7;
	s6 =	sshll.u32 s6, $0x6;
	s10 =	sshrl.u32 s7, $0x1  }
0xe: {  	_ =	strace $0x80000047;
	s11 =	sor.u32 s6, s11;
	s10 =	ssub.s32 s7, s10  }
0xf: {  	s6 =	sadd.s32 s0, s11;
	s7 =	sadd.s32 s4, s11;
	s8 =	sadd.s32 s8, s11  }
0x10: {  	v0 =	vlaneseq.u32;
	s9 =	sadd.s32 s9, s11;
	s11 =	simm.s32 $0x200;
	s10 =	smax.u32 s10, $0x1  }
.LBB2_1:
0x11: {  	[tilespmem:s5], [sflag:$0x1] =	stream.linear.gather [hbm4b:s6+s5], $0x200, $0x38;
	[tilespmem:$0x1E800] =	vst v63  }
0x12: {  	_ = 	snop  }
0x13: {  	[tilespmem:s11], [sflag:$0x1] =	stream.linear.gather [hbm4b:s7+s5], $0x200, $0x38;
	[tilespmem:$0x1E800] =	vst v63  }
0x14: {  	_ = 	snop  }
0x15: {  	[tilespmem:s12], [sflag:$0x1] =	stream.linear.gather [hbm4b:s8+s5], $0x200, $0x38;
	[tilespmem:$0x1E800] =	vst v63  }
0x16: {  	_ =	swait.ge [sflag:s13], $0x200  }
0x17: {  	[sflag:s13] =	ssyncset.done $0x0  }
0x18: {  	[sflag:s13] =	ssyncadd.s32 $0xFFFFFE00  }
0x19: {  	_ =	swait.ge [sflag:s13], $0x200  }
0x1a: {  	[sflag:s13] =	ssyncset.done $0x0  }
0x1b: {  	[sflag:s13] =	ssyncadd.s32 $0xFFFFFE00  }
0x1c: {  	_ =	swait.ge [sflag:s13], $0x200  }
0x1d: {  	[sflag:s13] =	ssyncset.done $0x0  }
0x1e: {  	s0 =	simm.s32 $0x600;
	[sflag:s13] =	ssyncadd.s32 $0xFFFFFE00  }
0x1f: {  	[tilespmem:s0], [sflag:$0x1] =	stream.indirect.gather [hbm4b:s1+s14], $0x80, s5, s14, $0xb8;
	[tilespmem:$0x1E800] =	vst v63  }
0x20: {  	s18 =	simm.s32 $0x6600  }
0x21: {  	[tilespmem:s18], [sflag:$0x1] =	stream.indirect.gather [hbm4b:s2+s14], $0x80, s5, s14, $0xb8;
	[tilespmem:$0x1E800] =	vst v63  }
0x22: {  	s20 =	simm.s32 $0xC600  }
0x23: {  	[tilespmem:s20], [sflag:$0x1] =	stream.indirect.gather [hbm4b:s1+s14], $0x80, s12, s14, $0xb8;
	[tilespmem:$0x1E800] =	vst v63  }
0x24: {  	s21 =	simm.s32 $0x12600  }
0x25: {  	[tilespmem:s21], [sflag:$0x1] =	stream.indirect.gather [hbm4b:s2+s14], $0x80, s12, s14, $0xb8;
	[tilespmem:$0x1E800] =	vst v63  }
0x26: {  	s23 =	simm.s32 $0x18600  }
0x27: {  	[tilespmem:s23], [sflag:$0x1] =	stream.indirect.gather [hbm4b:s3+s14], $0x80, s11, s14, $0xb8;
	[tilespmem:$0x1E800] =	vst v63  }
0x28: {  	s24 =	simm.s32 $0x1600  }
0x29: {  	[tilespmem:s24], [sflag:$0x2] =	stream.indirect.gather [hbm4b:s1+s14], $0x80, s14, s14, $0xb8;
	[tilespmem:$0x1E800] =	vst v63  }
0x2a: {  	s4 =	simm.s32 $0x7600  }
0x2b: {  	[tilespmem:s4], [sflag:$0x2] =	stream.indirect.gather [hbm4b:s2+s14], $0x80, s14, s14, $0xb8;
	[tilespmem:$0x1E800] =	vst v63  }
0x2c: {  	s15 =	simm.s32 $0xD600  }
0x2d: {  	[tilespmem:s15], [sflag:$0x2] =	stream.indirect.gather [hbm4b:s1+s14], $0x80, s22, s14, $0xb8;
	[tilespmem:$0x1E800] =	vst v63  }
0x2e: {  	s17 =	simm.s32 $0x13600  }
0x2f: {  	[tilespmem:s17], [sflag:$0x2] =	stream.indirect.gather [hbm4b:s2+s14], $0x80, s22, s14, $0xb8;
	[tilespmem:$0x1E800] =	vst v63  }
0x30: {  	s18 =	simm.s32 $0x220;
	s4 =	simm.s32 $0x19600  }
0x31: {  	[tilespmem:s4], [sflag:$0x2] =	stream.indirect.gather [hbm4b:s3+s14], $0x80, s18, s14, $0xb8;
	[tilespmem:$0x1E800] =	vst v63  }
0x32: {  	s29 =	simm.s32 $0x40;
	s20 =	simm.s32 $0x2600  }
0x33: {  	[tilespmem:s20], [sflag:$0x3] =	stream.indirect.gather [hbm4b:s1+s14], $0x80, s29, s14, $0xb8;
	[tilespmem:$0x1E800] =	vst v63  }
0x34: {  	s21 =	simm.s32 $0x8600  }
0x35: {  	[tilespmem:s21], [sflag:$0x3] =	stream.indirect.gather [hbm4b:s2+s14], $0x80, s29, s14, $0xb8;
	[tilespmem:$0x1E800] =	vst v63  }
0x36: {  	s23 =	simm.s32 $0xE600  }
0x37: {  	[tilespmem:s23], [sflag:$0x3] =	stream.indirect.gather [hbm4b:s1+s14], $0x80, s30, s14, $0xb8;
	[tilespmem:$0x1E800] =	vst v63  }
0x38: {  	s24 =	simm.s32 $0x14600  }
0x39: {  	[tilespmem:s24], [sflag:$0x3] =	stream.indirect.gather [hbm4b:s2+s14], $0x80, s30, s14, $0xb8;
	[tilespmem:$0x1E800] =	vst v63  }
0x3a: {  	s15 =	simm.s32 $0x1A600;
	s4 =	simm.s32 $0x240  }
0x3b: {  	[tilespmem:s15], [sflag:$0x3] =	stream.indirect.gather [hbm4b:s3+s14], $0x80, s4, s14, $0xb8;
	[tilespmem:$0x1E800] =	vst v63  }
0x3c: {  	s17 =	simm.s32 $0x3600  }
0x3d: {  	[tilespmem:s17], [sflag:$0x4] =	stream.indirect.gather [hbm4b:s1+s14], $0x80, s16, s14, $0xb8;
	[tilespmem:$0x1E800] =	vst v63  }
0x3e: {  	s18 =	simm.s32 $0x9600  }
0x3f: {  	[tilespmem:s18], [sflag:$0x4] =	stream.indirect.gather [hbm4b:s2+s14], $0x80, s16, s14, $0xb8;
	[tilespmem:$0x1E800] =	vst v63  }
0x40: {  	s20 =	simm.s32 $0xF600  }
0x41: {  	[tilespmem:s20], [sflag:$0x4] =	stream.indirect.gather [hbm4b:s1+s14], $0x80, s19, s14, $0xb8;
	[tilespmem:$0x1E800] =	vst v63  }
0x42: {  	s31 =	simm.s32 $0x0;
	s21 =	simm.s32 $0x15600  }
0x43: {  	[tilespmem:s21], [sflag:$0x4] =	stream.indirect.gather [hbm4b:s2+s14], $0x80, s19, s14, $0xb8;
	[tilespmem:$0x1E800] =	vst v63  }
0x44: {  	s0 =	simm.s32 $0x0;
	s23 =	simm.s32 $0x260;
	s24 =	simm.s32 $0x1B600  }
0x45: {  	[tilespmem:s24], [sflag:$0x4] =	stream.indirect.gather [hbm4b:s3+s14], $0x80, s23, s14, $0xb8;
	[tilespmem:$0x1E800] =	vst v63  }
.LBB2_2:
0x46: {  	s4 =	smul.u32 $0xAB, s0;
	_ =	sdelay $0x1  }
0x47: {  	s4 =	sshrl.u32 s4, $0xA  }
0x48: {  	s4 =	sand.u32 $0x3F, s4  }
0x49: {  	s4 =	smul.u32 $0x6, s4;
	_ =	sdelay $0x1  }
0x4a: {  	s4 =	ssub.s32 s0, s4  }
0x4b: {  	s4 =	sand.u32 $0xFF, s4  }
0x4c: {  	s4 =	sadd.s32 $0x1, s4  }
0x4d: {  	_ =	swait.ge [sflag:s4], $0x1000  }
0x4e: {  	[sflag:s4] =	ssyncset.done $0x0  }
0x4f: {  	[sflag:s4] =	ssyncadd.s32 $0xFFFFF000  }
0x50: {  	_ =	swait.ge [sflag:s4], $0x1000  }
0x51: {  	p0 =	sgt.u32 s0, $0xB;
	[sflag:s4] =	ssyncset.done $0x0  }
0x52: {  	s15 =	sadd.s32 @!p0 $0x4, s0;
	[sflag:s4] =	ssyncadd.s32 $0xFFFFF000  }
0x53: {  	s17 =	smul.u32 @!p0 $0xAB, s15;
	_ =	swait.ge [sflag:s4], $0x1000  }
0x54: {  	[sflag:s4] =	ssyncset.done $0x0  }
0x55: {  	s17 =	sshrl.u32 @!p0 s17, $0xA;
	[sflag:s4] =	ssyncadd.s32 $0xFFFFF000  }
0x56: {  	s17 =	sand.u32 @!p0 $0x3F, s17;
	_ =	swait.ge [sflag:s4], $0x1000  }
0x57: {  	s17 =	smul.u32 @!p0 $0x6, s17;
	[sflag:s4] =	ssyncset.done $0x0  }
0x58: {  	[sflag:s4] =	ssyncadd.s32 $0xFFFFF000  }
0x59: {  	s17 =	ssub.s32 @!p0 s15, s17;
	_ =	swait.ge [sflag:s4], $0x1000  }
0x5a: {  	s17 =	sand.u32 @!p0 $0xFF, s17;
	[sflag:s4] =	ssyncset.done $0x0  }
0x5b: {  	[sflag:s4] =	ssyncadd.s32 $0xFFFFF000;
	s4 =	sshll.u32 @!p0 s15, $0x5;
	s15 =	sshll.u32 @!p0 s17, $0xC  }
0x5c: {  	s20 =	simm.s32 @!p0 $0x20;
	s17 =	sadd.s32 @!p0 $0x1, s17;
	s18 =	sor.u32 @!p0 $0x600, s15  }
0x5d: {  	[tilespmem:s18], [sflag:s17] =	stream.indirect.gather @!p0 [hbm4b:s1+s20], $0x80, s4, s20, $0xb8;
	[tilespmem:$0x1E800] =	vst v63  }
0x5e: {  	s18 =	sadd.s32 @!p0 $0x6600, s15  }
0x5f: {  	[tilespmem:s18], [sflag:s17] =	stream.indirect.gather @!p0 [hbm4b:s2+s20], $0x80, s4, s20, $0xb8;
	[tilespmem:$0x1E800] =	vst v63  }
0x60: {  	s21 =	sadd.s32 @!p0 $0x400, s4;
	s18 =	sadd.s32 @!p0 $0xC600, s15  }
0x61: {  	[tilespmem:s18], [sflag:s17] =	stream.indirect.gather @!p0 [hbm4b:s1+s20], $0x80, s21, s20, $0xb8;
	[tilespmem:$0x1E800] =	vst v63  }
0x62: {  	s24 =	smulhi.u32 $0xAAAAAAAB, s0;
	s23 =	sadd.s32 @!p0 $0x12600, s15;
	s15 =	sor.u32 @!p0 $0x18600, s15  }
0x63: {  	[tilespmem:s23], [sflag:s17] =	stream.indirect.gather @!p0 [hbm4b:s2+s20], $0x80, s21, s20, $0xb8;
	[tilespmem:$0x1E800] =	vst v63  }
0x64: {  	s4 =	sadd.s32 @!p0 $0x200, s4;
	s18 =	sshrl.u32 s24, $0x2;
	s23 =	sshll.u32 s0, $0x5  }
0x65: {  	[tilespmem:s15], [sflag:s17] =	stream.indirect.gather @!p0 [hbm4b:s3+s20], $0x80, s4, s20, $0xb8;
	[tilespmem:$0x1E800] =	vst v63  }
0x66: {  	s21 =	smul.u32 $0x6000, s18;
	s4 =	sand.u32 $0x3FFFFFE0, s23  }
0x67: {  	p1 =	por $0x1, $0x1;
	s18 =	simm.s32 $0x0;
	s24 =	sadd.s32 $0x1E600, s4  }
0x68: {  	s15 =	ssub.s32 s31, s21;
	s17 =	simm.s32 $0x0;
	s4 =	ssub.s32 s29, s21;
	v1 =	vmov s24  }
.LBB2_3:
0x69: {  	s20 =	sshll.u32 s18, $0xB  }
0x6a: {  	s21 =	sadd.s32 s20, s15  }
0x6b: {  	s21 =	sshll.u32 s21, $0x2  }
0x6c: {  	s23 =	sshra.s32 s21, $0x2  }
0x6d: {  	s21 =	sadd.s32 $0xC600, s23  }
0x6e: {  	s20 =	sadd.s32 s20, s4;
	s24 =	sadd.s32 $0x12600, s23;
	v5 =	vmov s21  }
0x6f: {  	s20 =	sshll.u32 s20, $0x2;
	v4 =	vmov s24  }
0x70: {  	s20 =	sshra.s32 s20, $0x2  }
0x71: {  	s20 =	sadd.s32 $0x18600, s20  }
0x72: {  	v6 =	vmov s20;
	s21 =	simm.s32 $0x0  }
0x73: {  	v7 =	vld.idx.msk [tilespmem:v5+s21+$0x70 ss:$0x1], $0xffff  }
0x74: {  	v8 =	vld.idx.msk [tilespmem:v4+s21+$0x70 ss:$0x1], $0xffff  }
0x75: {  	v9 =	vld.idx.msk [tilespmem:v5+s21+$0x60 ss:$0x1], $0xffff  }
0x76: {  	v10 =	vld.idx.msk [tilespmem:v4+s21+$0x60 ss:$0x1], $0xffff  }
0x77: {  	v11 =	vld.idx.msk [tilespmem:v6+s21+$0xFFFFFFF0 ss:$0x1], $0xffff  }
0x78: {  	v12 =	vld.idx.msk [tilespmem:v6+s21+$0x30 ss:$0x1], $0xffff  }
0x79: {  	v13 =	vld.idx.msk [tilespmem:v5+s21+$0x50 ss:$0x1], $0xffff  }
0x7a: {  	v14 =	vld.idx.msk [tilespmem:v4+s21+$0x50 ss:$0x1], $0xffff  }
0x7b: {  	v15 =	vld.idx.msk [tilespmem:v5+s21+$0x40 ss:$0x1], $0xffff  }
0x7c: {  	v16 =	vld.idx.msk [tilespmem:v4+s21+$0x40 ss:$0x1], $0xffff  }
0x7d: {  	v17 =	vld.idx.msk [tilespmem:v6+s21+$0xFFFFFFE0 ss:$0x1], $0xffff  }
0x7e: {  	v18 =	vld.idx.msk [tilespmem:v6+s21+$0x20 ss:$0x1], $0xffff  }
0x7f: {  	v19 =	vld.idx.msk [tilespmem:v5+s21+$0x30 ss:$0x1], $0xffff  }
0x80: {  	s24 =	sadd.s32 $0x600, s23;
	s23 =	sadd.s32 $0x6600, s23;
	v20 =	vld.idx.msk [tilespmem:v4+s21+$0x30 ss:$0x1], $0xffff  }
0x81: {  	v3 =	vmov s24;
	v2 =	vmov s23;
	v21 =	vld.idx.msk [tilespmem:v6+s21+$0xFFFFFFD0 ss:$0x1], $0xffff;
	v22 =	vunpack.i.u.bf16.f32 v11  }
0x82: {  	v24 =	vld.idx.msk [tilespmem:v6+s21+$0x10 ss:$0x1], $0xffff;
	v23 =	vunpack.i.u.bf16.f32 v12;
	v11 =	vunpack.i.l.bf16.f32 v11;
	v25 =	vmul.f32 v7, v22  }
0x83: {  	s20 =	simm.s32 $0x80;
	v26 =	vld.idx.msk [tilespmem:v5+s21+$0x20 ss:$0x1], $0xffff;
	v12 =	vunpack.i.l.bf16.f32 v12;
	v27 =	vmul.f32 v8, v23;
	v8 =	vmul.f32 v8, v22  }
0x84: {  	v61 =	vld.idx.msk [tilespmem:v6+s20+$0xFFFFFFD0 ss:$0x1], $0xffff;
	v28 =	vunpack.i.u.bf16.f32 v17;
	v29 =	vmul.f32 v9, v11;
	v7 =	vmul.f32 v7, v23  }
0x85: {  	v30 =	vunpack.i.u.bf16.f32 v18;
	v22 =	vld.idx.msk [tilespmem:v4+s21+$0x20 ss:$0x1], $0xffff;
	v31 =	vmul.f32 v10, v12;
	v10 =	vmul.f32 v10, v11  }
0x86: {  	v17 =	vunpack.i.l.bf16.f32 v17;
	v23 =	vld.idx.msk [tilespmem:v6+s21+$0xFFFFFFC0 ss:$0x1], $0xffff;
	v32 =	vmul.f32 v13, v28;
	v9 =	vmul.f32 v9, v12  }
0x87: {  	v18 =	vunpack.i.l.bf16.f32 v18;
	v11 =	vld.idx.msk [tilespmem:v5+s21+$0x0 ss:$0x1], $0xffff;
	v33 =	vmul.f32 v14, v30;
	v14 =	vmul.f32 v14, v28  }
0x88: {  	v34 =	vunpack.i.u.bf16.f32 v21;
	v12 =	vld.idx.msk [tilespmem:v6+s21+$0x0 ss:$0x1], $0xffff;
	v35 =	vmul.f32 v15, v17;
	v13 =	vmul.f32 v13, v30  }
0x89: {  	v36 =	vunpack.i.u.bf16.f32 v24;
	v28 =	vld.idx.msk [tilespmem:v4+s21+$0x0 ss:$0x1], $0xffff;
	v37 =	vmul.f32 v16, v18;
	v16 =	vmul.f32 v16, v17  }
0x8a: {  	v30 =	vld.idx.msk [tilespmem:v5+s21+$0x10 ss:$0x1], $0xffff;
	v15 =	vmul.f32 v15, v18;
	v18 =	vunpack.i.l.bf16.f32 v24;
	v24 =	vmul.f32 v19, v34  }
0x8b: {  	v21 =	vunpack.i.l.bf16.f32 v21;
	v17 =	vld.idx.msk [tilespmem:v4+s21+$0x10 ss:$0x1], $0xffff;
	v38 =	vmul.f32 v20, v36;
	v20 =	vmul.f32 v20, v34  }
0x8c: {  	v39 =	vld.idx.msk [tilespmem:v3+s21+$0x70 ss:$0x1], $0xffff;
	v19 =	vmul.f32 v19, v36;
	v42 =	vmul.f32 v26, v21  }
0x8d: {  	v41 =	vld.idx.msk [tilespmem:v3+s21+$0x0 ss:$0x1], $0xffff;
	v40 =	vunpack.i.l.bf16.f32 v23;
	v56 =	vunpack.i.l.bf16.f32 v12;
	v43 =	vmul.f32 v22, v18  }
0x8e: {  	v57 =	vld.idx.msk [tilespmem:v2+s21+$0x0 ss:$0x1], $0xffff;
	v23 =	vunpack.i.u.bf16.f32 v23;
	v44 =	vmul.f32 v11, v40;
	v45 =	vmul.f32 v28, v56  }
0x8f: {  	v46 =	vld.idx.msk [tilespmem:v3+s21+$0x10 ss:$0x1], $0xffff;
	v12 =	vunpack.i.u.bf16.f32 v12;
	v28 =	vmul.f32 v28, v40;
	v11 =	vmul.f32 v11, v56  }
0x90: {  	v58 =	vld.idx.msk [tilespmem:v2+s21+$0x10 ss:$0x1], $0xffff;
	v59 =	vmul.f32 v30, v23;
	v47 =	vmul.f32 v17, v12  }
0x91: {  	v48 =	vld.idx.msk [tilespmem:v3+s21+$0x20 ss:$0x1], $0xffff;
	v24 =	vadd.f32 v38, v24;
	v17 =	vmul.f32 v17, v23;
	v12 =	vmul.f32 v30, v12  }
0x92: {  	v21 =	vmul.f32 v22, v21;
	v23 =	vld.idx.msk [tilespmem:v2+s21+$0x20 ss:$0x1], $0xffff;
	v30 =	vadd.f32 v45, v44;
	v11 =	vsub.f32 v28, v11  }
0x93: {  	v22 =	vld.idx.msk [tilespmem:v3+s21+$0x30 ss:$0x1], $0xffff;
	v28 =	vadd.f32 v47, v59;
	v12 =	vsub.f32 v17, v12;
	v17 =	vmul.f32 v26, v18  }
0x94: {  	v18 =	vld.idx.msk [tilespmem:v2+s21+$0x30 ss:$0x1], $0xffff;
	v26 =	vmul.f32 v30, v41;
	v11 =	vmul.f32 v11, v57;
	v30 =	vadd.f32 v43, v42  }
0x95: {  	v60 =	vld.idx.msk [tilespmem:v3+s21+$0x40 ss:$0x1], $0xffff;
	v28 =	vmul.f32 v28, v46;
	v12 =	vmul.f32 v12, v58;
	v17 =	vsub.f32 v21, v17  }
0x96: {  	v19 =	vsub.f32 v20, v19;
	v15 =	vsub.f32 v16, v15;
	v21 =	vld.idx.msk [tilespmem:v2+s21+$0x40 ss:$0x1], $0xffff;
	v30 =	vmul.f32 v30, v48  }
0x97: {  	v20 =	vld.idx.msk [tilespmem:v3+s21+$0x50 ss:$0x1], $0xffff;
	v11 =	vadd.f32 v11, v26;
	v12 =	vadd.f32 v12, v28;
	v17 =	vmul.f32 v17, v23  }
0x98: {  	v13 =	vsub.f32 v14, v13;
	v22 =	vmul.f32 v24, v22;
	v24 =	vadd.f32 v37, v35;
	v23 =	vld.idx.msk [tilespmem:v2+s21+$0x50 ss:$0x1], $0xffff  }
0x99: {  	v16 =	vld.idx.msk [tilespmem:v3+s21+$0x60 ss:$0x1], $0xffff;
	v11 =	vadd.f32 v12, v11;
	v12 =	vadd.f32 v17, v30;
	v17 =	vmul.f32 v19, v18  }
0x9a: {  	v9 =	vsub.f32 v10, v9;
	v18 =	vld.idx.msk [tilespmem:v2+s21+$0x60 ss:$0x1], $0xffff;
	v19 =	vmul.f32 v24, v60;
	v24 =	vadd.f32 v33, v32  }
0x9b: {  	v14 =	vld.idx.msk [tilespmem:v2+s21+$0x70 ss:$0x1], $0xffff;
	v15 =	vmul.f32 v15, v21;
	v11 =	vadd.f32 v12, v11;
	v12 =	vadd.f32 v17, v22  }
0x9c: {  	v34 =	vld.idx.msk [tilespmem:v5+s20+$0x10 ss:$0x1], $0xffff;
	v7 =	vsub.f32 v8, v7;
	v21 =	vadd.f32 v31, v29;
	v20 =	vmul.f32 v24, v20  }
0x9d: {  	v8 =	vld.idx.msk [tilespmem:v6+s20+$0xFFFFFFF0 ss:$0x1], $0xffff;
	v10 =	vadd.f32 v12, v11;
	v11 =	vadd.f32 v15, v19;
	v12 =	vmul.f32 v13, v23  }
0x9e: {  	v35 =	vld.idx.msk [tilespmem:v4+s20+$0x0 ss:$0x1], $0xffff;
	v13 =	vmul.f32 v21, v16;
	v16 =	vadd.f32 v27, v25  }
0x9f: {  	v28 =	vld.idx.msk [tilespmem:v5+s20+$0x70 ss:$0x1], $0xffff;
	v9 =	vmul.f32 v9, v18;
	v10 =	vadd.f32 v11, v10;
	v11 =	vadd.f32 v12, v20  }
0xa0: {  	v7 =	vmul.f32 v7, v14;
	v26 =	vld.idx.msk [tilespmem:v5+s20+$0x30 ss:$0x1], $0xffff  }
0xa1: {  	v30 =	vld.idx.msk [tilespmem:v6+s20+$0xFFFFFFC0 ss:$0x1], $0xffff;
	v16 =	vmul.f32 v16, v39;
	v9 =	vadd.f32 v9, v13;
	v10 =	vadd.f32 v11, v10  }
0xa2: {  	v17 =	vld.idx.msk [tilespmem:v4+s20+$0x70 ss:$0x1], $0xffff  }
0xa3: {  	v22 =	vld.idx.msk [tilespmem:v5+s20+$0x60 ss:$0x1], $0xffff;
	v7 =	vadd.f32 v7, v16;
	v9 =	vadd.f32 v9, v10  }
0xa4: {  	v12 =	vld.idx.msk [tilespmem:v6+s20+$0x30 ss:$0x1], $0xffff  }
0xa5: {  	v15 =	vld.idx.msk [tilespmem:v4+s20+$0x60 ss:$0x1], $0xffff;
	v7 =	vadd.f32 v7, v9  }
0xa6: {  	v13 =	vld.idx.msk [tilespmem:v6+s20+$0xFFFFFFE0 ss:$0x1], $0xffff  }
0xa7: {  	v16 =	vld.idx.msk [tilespmem:v6+s20+$0x20 ss:$0x1], $0xffff;
	(xrf2) =	vadd.scan.msk.f32 $0xffff, v7  }
0xa8: {  	v36 =	vunpack.i.u.bf16.f32 v61;
	v31 =	vld.idx.msk [tilespmem:v6+s20+$0x10 ss:$0x1], $0xffff;
	v10 =	vunpack.i.u.bf16.f32 v8  }
0xa9: {  	v14 =	vunpack.i.l.bf16.f32 v8;
	v19 =	vld.idx.msk [tilespmem:v5+s20+$0x50 ss:$0x1], $0xffff;
	v11 =	vunpack.i.u.bf16.f32 v12;
	v8 =	vmul.f32 v28, v10  }
0xaa: {  	v18 =	vld.idx.msk [tilespmem:v4+s20+$0x50 ss:$0x1], $0xffff;
	v21 =	vunpack.i.l.bf16.f32 v12;
	v10 =	vmul.f32 v17, v10;
	v12 =	vmul.f32 v22, v14  }
0xab: {  	v25 =	vld.idx.msk [tilespmem:v5+s20+$0x40 ss:$0x1], $0xffff;
	v14 =	vmul.f32 v15, v14;
	v9 =	vmov s17;
	v62 =	vunpack.i.u.bf16.f32 v13  }
0xac: {  	v23 =	vld.idx.msk [tilespmem:v4+s20+$0x40 ss:$0x1], $0xffff;
	vm0 =	veq.s32 v9, v0;
	v9 =	vmul.f32 v17, v11;
	v63 =	vunpack.i.u.bf16.f32 v16  }
0xad: {  	v33 =	vld.idx.msk [tilespmem:v6+s20+$0x0 ss:$0x1], $0xffff;
	v11 =	vmul.f32 v28, v11;
	v28 =	vunpack.i.l.bf16.f32 v13;
	v13 =	vmul.f32 v15, v21  }
0xae: {  	v27 =	vld.idx.msk [tilespmem:v4+s20+$0x30 ss:$0x1], $0xffff;
	v37 =	vunpack.i.l.bf16.f32 v16;
	v16 =	vmul.f32 v19, v62;
	v15 =	vmul.f32 v22, v21  }
0xaf: {  	v32 =	vunpack.i.l.bf16.f32 v61;
	v24 =	vld.idx.msk [tilespmem:v4+s20+$0x20 ss:$0x1], $0xffff;
	v17 =	vmul.f32 v18, v63;
	v18 =	vmul.f32 v18, v62  }
0xb0: {  	v20 =	vld.idx.msk [tilespmem:v5+s20+$0x20 ss:$0x1], $0xffff;
	v38 =	vunpack.i.u.bf16.f32 v31;
	v21 =	vmul.f32 v25, v28;
	v19 =	vmul.f32 v19, v63  }
0xb1: {  	p0 =	por p1, p1;
	s23 =	simm.s32 $0x400;
	s21 =	simm.s32 $0x0;
	v29 =	vld.idx.msk [tilespmem:v5+s20+$0x0 ss:$0x1], $0xffff;
	v7 =	vimm.f32 $0.0e+00;
	v22 =	vmul.f32 v23, v37;
	v23 =	vmul.f32 v23, v28;
	v28, _, _ =	vpop (xrf2)  }
.LBB2_4:
0xb2: {  	p1 =	sne.s32 s23, $0x1E00;
	v39 =	vld.idx.msk [tilespmem:v4+s20+$0x10 ss:$0x1], $0xffff;
	v31 =	vunpack.i.l.bf16.f32 v31;
	v25 =	vmul.f32 v25, v37;
	v28 =	vbroadcast v28, $0xF  }
0xb3: {  	v37 =	vunpack.i.l.bf16.f32 v30;
	v40 =	vmul.f32 v26, v36;
	v41 =	vmul.f32 v27, v38;
	v42 =	vld.idx.msk [tilespmem:v3+s20+$0x70 ss:$0x1], $0xffff  }
0xb4: {  	v27 =	vmul.f32 v27, v36;
	v26 =	vmul.f32 v26, v38;
	v43 =	vld.idx.msk [tilespmem:v3+s20+$0x0 ss:$0x1], $0xffff;
	v7 =	vsel vm0, v28, v7  }
0xb5: {  	v38 =	vmul.f32 v20, v32;
	v44 =	vmul.f32 v24, v31;
	v28 =	vunpack.i.l.bf16.f32 v33;
	v36 =	vld.idx.msk [tilespmem:v2+s20+$0x0 ss:$0x1], $0xffff  }
0xb6: {  	v30 =	vunpack.i.u.bf16.f32 v30;
	v45 =	vmul.f32 v29, v37;
	v46 =	vmul.f32 v35, v28;
	v47 =	vld.idx.msk [tilespmem:v3+s20+$0x10 ss:$0x1], $0xffff  }
0xb7: {  	v33 =	vunpack.i.u.bf16.f32 v33;
	v35 =	vmul.f32 v35, v37;
	v28 =	vmul.f32 v29, v28;
	v29 =	vld.idx.msk [tilespmem:v2+s20+$0x10 ss:$0x1], $0xffff  }
0xb8: {  	v37 =	vmul.f32 v34, v30;
	v48 =	vmul.f32 v39, v33;
	v49 =	vld.idx.msk [tilespmem:v3+s20+$0x20 ss:$0x1], $0xffff  }
0xb9: {  	v30 =	vmul.f32 v39, v30;
	v33 =	vmul.f32 v34, v33;
	v34 =	vld.idx.msk [tilespmem:v2+s20+$0x20 ss:$0x1], $0xffff  }
0xba: {  	v24 =	vmul.f32 v24, v32;
	v39 =	vadd.f32 v46, v45;
	v28 =	vsub.f32 v35, v28;
	v32 =	vld.idx.msk [tilespmem:v3+s20+$0x30 ss:$0x1], $0xffff  }
0xbb: {  	v20 =	vmul.f32 v20, v31;
	v35 =	vadd.f32 v48, v37;
	v30 =	vsub.f32 v30, v33;
	v31 =	vld.idx.msk [tilespmem:v2+s20+$0x30 ss:$0x1], $0xffff  }
0xbc: {  	v33 =	vmul.f32 v39, v43;
	v28 =	vmul.f32 v28, v36;
	v36 =	vadd.f32 v44, v38;
	v37 =	vld.idx.msk [tilespmem:v3+s20+$0x40 ss:$0x1], $0xffff  }
0xbd: {  	v20 =	vsub.f32 v24, v20;
	v35 =	vmul.f32 v35, v47;
	v29 =	vmul.f32 v30, v29;
	v24 =	vld.idx.msk [tilespmem:v2+s20+$0x40 ss:$0x1], $0xffff  }
0xbe: {  	v26 =	vsub.f32 v27, v26;
	v30 =	vmul.f32 v36, v49;
	v36 =	vadd.f32 v41, v40;
	v27 =	vld.idx.msk [tilespmem:v3+s20+$0x50 ss:$0x1], $0xffff  }
0xbf: {  	v28 =	vadd.f32 v28, v33;
	v29 =	vadd.f32 v29, v35;
	v20 =	vmul.f32 v20, v34;
	v33 =	vld.idx.msk [tilespmem:v2+s20+$0x50 ss:$0x1], $0xffff  }
0xc0: {  	v21 =	vadd.f32 v22, v21;
	v22 =	vsub.f32 v23, v25;
	v32 =	vmul.f32 v36, v32;
	v23 =	vld.idx.msk [tilespmem:v3+s20+$0x60 ss:$0x1], $0xffff  }
0xc1: {  	v25 =	vadd.f32 v29, v28;
	v20 =	vadd.f32 v20, v30;
	v26 =	vmul.f32 v26, v31;
	v28 =	vld.idx.msk [tilespmem:v2+s20+$0x60 ss:$0x1], $0xffff  }
0xc2: {  	v16 =	vadd.f32 v17, v16;
	v17 =	vsub.f32 v18, v19;
	v21 =	vmul.f32 v21, v37;
	v18 =	vld.idx.msk [tilespmem:v2+s20+$0x70 ss:$0x1], $0xffff;
	s20 =	sshra.s32 s23, $0x2  }
0xc3: {  	v20 =	vadd.f32 v20, v25;
	v25 =	vadd.f32 v26, v32;
	v22 =	vmul.f32 v22, v24;
	v19 =	vld.idx.msk [tilespmem:v5+s20+$0x70 ss:$0x1], $0xffff  }
0xc4: {  	v12 =	vadd.f32 v13, v12;
	v13 =	vsub.f32 v14, v15;
	v16 =	vmul.f32 v16, v27;
	v24 =	vld.idx.msk [tilespmem:v4+s20+$0x70 ss:$0x1], $0xffff  }
0xc5: {  	v14 =	vadd.f32 v25, v20;
	v20 =	vadd.f32 v22, v21;
	v17 =	vmul.f32 v17, v33;
	v15 =	vld.idx.msk [tilespmem:v5+s20+$0x60 ss:$0x1], $0xffff  }
0xc6: {  	v8 =	vadd.f32 v9, v8;
	v9 =	vsub.f32 v10, v11;
	v12 =	vmul.f32 v12, v23;
	v21 =	vld.idx.msk [tilespmem:v4+s20+$0x60 ss:$0x1], $0xffff  }
0xc7: {  	v11 =	vadd.f32 v20, v14;
	v14 =	vadd.f32 v17, v16;
	v13 =	vmul.f32 v13, v28;
	v10 =	vld.idx.msk [tilespmem:v6+s20+$0xFFFFFFF0 ss:$0x1], $0xffff  }
0xc8: {  	v8 =	vmul.f32 v8, v42;
	v16 =	vld.idx.msk [tilespmem:v6+s20+$0x30 ss:$0x1], $0xffff  }
0xc9: {  	v9 =	vmul.f32 v9, v18;
	v11 =	vadd.f32 v14, v11;
	v12 =	vadd.f32 v13, v12;
	v22 =	vld.idx.msk [tilespmem:v5+s20+$0x50 ss:$0x1], $0xffff  }
0xca: {  	v18 =	vld.idx.msk [tilespmem:v4+s20+$0x50 ss:$0x1], $0xffff  }
0xcb: {  	v8 =	vadd.f32 v9, v8;
	v11 =	vadd.f32 v12, v11;
	v25 =	vld.idx.msk [tilespmem:v5+s20+$0x40 ss:$0x1], $0xffff  }
0xcc: {  	v23 =	vld.idx.msk [tilespmem:v4+s20+$0x40 ss:$0x1], $0xffff  }
0xcd: {  	v8 =	vadd.f32 v8, v11;
	v13 =	vld.idx.msk [tilespmem:v6+s20+$0xFFFFFFE0 ss:$0x1], $0xffff  }
0xce: {  	v17 =	vld.idx.msk [tilespmem:v6+s20+$0x20 ss:$0x1], $0xffff  }
0xcf: {  	s21 =	sadd.s32 $0x1, s21;
	v26 =	vld.idx.msk [tilespmem:v5+s20+$0x30 ss:$0x1], $0xffff;
	(xrf2) =	vadd.scan.msk.f32 $0xffff, v8  }
0xd0: {  	v8 =	vmov s21;
	v27 =	vld.idx.msk [tilespmem:v4+s20+$0x30 ss:$0x1], $0xffff  }
0xd1: {  	v11 =	vunpack.i.u.bf16.f32 v10;
	v14 =	vunpack.i.u.bf16.f32 v16;
	vm0 =	veq.s32 v8, v0;
	v28 =	vld.idx.msk [tilespmem:v6+s20+$0xFFFFFFD0 ss:$0x1], $0xffff  }
0xd2: {  	v29 =	vunpack.i.l.bf16.f32 v10;
	v32 =	vunpack.i.l.bf16.f32 v16;
	v8 =	vmul.f32 v19, v11;
	v31 =	vld.idx.msk [tilespmem:v6+s20+$0x10 ss:$0x1], $0xffff  }
0xd3: {  	v10 =	vmul.f32 v24, v11;
	v9 =	vmul.f32 v24, v14;
	v34 =	vunpack.i.u.bf16.f32 v13;
	v20 =	vld.idx.msk [tilespmem:v5+s20+$0x20 ss:$0x1], $0xffff  }
0xd4: {  	v12 =	vmul.f32 v15, v29;
	v11 =	vmul.f32 v19, v14;
	v39 =	vunpack.i.u.bf16.f32 v17;
	v24 =	vld.idx.msk [tilespmem:v4+s20+$0x20 ss:$0x1], $0xffff  }
.Ltmp0:
0xd5: {  	v14 =	vmul.f32 v21, v29;
	v40 =	vunpack.i.l.bf16.f32 v13;
	v13 =	vmul.f32 v21, v32;
	v30 =	vld.idx.msk [tilespmem:v6+s20+$0xFFFFFFC0 ss:$0x1], $0xffff;
	(pc) =	sbr.rel @p1 .LBB2_4-.Ltmp0, $4  }
0xd6: {  	v15 =	vmul.f32 v15, v32;
	v37 =	vunpack.i.l.bf16.f32 v17;
	v16 =	vmul.f32 v22, v34;
	v29 =	vld.idx.msk [tilespmem:v5+s20+$0x0 ss:$0x1], $0xffff  }
0xd7: {  	v17 =	vmul.f32 v18, v39;
	v18 =	vmul.f32 v18, v34;
	v36 =	vunpack.i.u.bf16.f32 v28;
	v33 =	vld.idx.msk [tilespmem:v6+s20+$0x0 ss:$0x1], $0xffff  }
0xd8: {  	v21 =	vmul.f32 v25, v40;
	v19 =	vmul.f32 v22, v39;
	v38 =	vunpack.i.u.bf16.f32 v31;
	v35 =	vld.idx.msk [tilespmem:v4+s20+$0x0 ss:$0x1], $0xffff  }
0xd9: {  	s23 =	sadd.s32 $0x200, s23;
	v22 =	vmul.f32 v23, v37;
	v23 =	vmul.f32 v23, v40;
	v32 =	vunpack.i.l.bf16.f32 v28;
	v34 =	vld.idx.msk [tilespmem:v5+s20+$0x10 ss:$0x1], $0xffff;
	v28, _, _ =	vpop (xrf2)  }
0xda: {  	_ =	sdelay $0x1  }
0xdb: {  	v5 =	vmul.f32 v25, v37  }
0xdc: {  	v6 =	vunpack.i.l.bf16.f32 v31;
	v25 =	vmul.f32 v26, v36;
	v31 =	vmul.f32 v27, v38  }
0xdd: {  	v4 =	vld.idx.msk [tilespmem:v4+s20+$0x10 ss:$0x1], $0xffff;
	v50 =	vunpack.i.l.bf16.f32 v30;
	v51 =	vmul.f32 v27, v36;
	v52 =	vmul.f32 v26, v38  }
0xde: {  	v53 =	vld.idx.msk [tilespmem:v3+s20+$0x0 ss:$0x1], $0xffff;
	v39 =	vmul.f32 v20, v32;
	v63 =	vmul.f32 v24, v32;
	v54 =	vunpack.i.l.bf16.f32 v33  }
0xdf: {  	v41 =	vld.idx.msk [tilespmem:v2+s20+$0x0 ss:$0x1], $0xffff;
	v55 =	vunpack.i.u.bf16.f32 v30;
	v42 =	vmul.f32 v29, v50;
	v43 =	vmul.f32 v35, v54  }
0xe0: {  	v44 =	vld.idx.msk [tilespmem:v3+s20+$0x10 ss:$0x1], $0xffff;
	v56 =	vunpack.i.u.bf16.f32 v33;
	v57 =	vmul.f32 v35, v50;
	v58 =	vmul.f32 v29, v54  }
0xe1: {  	v59 =	vld.idx.msk [tilespmem:v2+s20+$0x10 ss:$0x1], $0xffff;
	v60 =	vmul.f32 v34, v55;
	v33 =	vmul.f32 v34, v56  }
0xe2: {  	v61 =	vld.idx.msk [tilespmem:v3+s20+$0x20 ss:$0x1], $0xffff;
	v45 =	vmul.f32 v4, v56;
	v4 =	vmul.f32 v4, v55  }
0xe3: {  	v62 =	vld.idx.msk [tilespmem:v2+s20+$0x20 ss:$0x1], $0xffff;
	v40 =	vmul.f32 v24, v6;
	v42 =	vadd.f32 v43, v42;
	v29 =	vsub.f32 v57, v58  }
0xe4: {  	v46 =	vld.idx.msk [tilespmem:v2+s20+$0x30 ss:$0x1], $0xffff;
	v6 =	vmul.f32 v20, v6;
	v45 =	vadd.f32 v45, v60;
	v4 =	vsub.f32 v4, v33  }
0xe5: {  	v48 =	vadd.f32 v40, v39;
	v43 =	vld.idx.msk [tilespmem:v3+s20+$0x30 ss:$0x1], $0xffff;
	v47 =	vmul.f32 v42, v53;
	v29 =	vmul.f32 v29, v41  }
0xe6: {  	v49 =	vld.idx.msk [tilespmem:v3+s20+$0x40 ss:$0x1], $0xffff;
	v6 =	vsub.f32 v63, v6;
	v35 =	vmul.f32 v45, v44;
	v4 =	vmul.f32 v4, v59  }
0xe7: {  	v25 =	vadd.f32 v31, v25;
	v26 =	vsub.f32 v51, v52;
	v50 =	vld.idx.msk [tilespmem:v2+s20+$0x40 ss:$0x1], $0xffff;
	v30 =	vmul.f32 v48, v61  }
0xe8: {  	v51 =	vld.idx.msk [tilespmem:v3+s20+$0x50 ss:$0x1], $0xffff;
	v6 =	vmul.f32 v6, v62;
	v29 =	vadd.f32 v29, v47;
	v4 =	vadd.f32 v4, v35  }
0xe9: {  	v21 =	vadd.f32 v22, v21;
	v52 =	vld.idx.msk [tilespmem:v2+s20+$0x50 ss:$0x1], $0xffff;
	v5 =	vsub.f32 v23, v5;
	v20 =	vmul.f32 v26, v46  }
0xea: {  	v54 =	vld.idx.msk [tilespmem:v2+s20+$0x60 ss:$0x1], $0xffff;
	v6 =	vadd.f32 v6, v30;
	v25 =	vmul.f32 v25, v43;
	v4 =	vadd.f32 v4, v29  }
0xeb: {  	v16 =	vadd.f32 v17, v16;
	v21 =	vmul.f32 v21, v49;
	v55 =	vsub.f32 v18, v19;
	v53 =	vld.idx.msk [tilespmem:v3+s20+$0x60 ss:$0x1], $0xffff  }
0xec: {  	v2 =	vld.idx.msk [tilespmem:v2+s20+$0x70 ss:$0x1], $0xffff;
	v5 =	vmul.f32 v5, v50;
	v56 =	vadd.f32 v20, v25;
	v4 =	vadd.f32 v6, v4  }
0xed: {  	v12 =	vadd.f32 v13, v12;
	v57 =	vsub.f32 v14, v15;
	v3 =	vld.idx.msk [tilespmem:v3+s20+$0x70 ss:$0x1], $0xffff;
	v16 =	vmul.f32 v16, v51  }
0xee: {  	v58 =	vmul.f32 v55, v52;
	v5 =	vadd.f32 v5, v21;
	v4 =	vadd.f32 v56, v4  }
0xef: {  	v8 =	vadd.f32 v9, v8;
	v61 =	vmul.f32 v57, v54;
	v59 =	vsub.f32 v10, v11  }
0xf0: {  	v60 =	vadd.f32 v58, v16;
	v12 =	vmul.f32 v12, v53;
	v4 =	vadd.f32 v5, v4  }
0xf1: {  	v2 =	vmul.f32 v59, v2  }
0xf2: {  	v3 =	vmul.f32 v8, v3;
	v62 =	vadd.f32 v61, v12;
	v4 =	vadd.f32 v60, v4;
	_ =	sdelay $0x1  }
0xf3: {  	v2 =	vadd.f32 v2, v3;
	v4 =	vadd.f32 v62, v4;
	_ =	sdelay $0x1  }
0xf4: {  	v2 =	vadd.f32 v2, v4;
	_ =	sdelay $0x1  }
0xf5: {  	(xrf2) =	vadd.scan.msk.f32 $0xffff, v2;
	_ =	sdelay $0x9  }
.Ltmp1:
0xf6: {  	s24 =	sadd.s32 $0x1, s21;
	v2 =	vbroadcast v28, $0xF;
	v3, _, _ =	vpop (xrf2);
	(pc) =	sbr.rel @p0 .LBB2_3-.Ltmp1, $4  }
0xf7: {  	v63 =	vmov s24;
	v3 =	vbroadcast v3, $0xF  }
0xf8: {  	s18 =	sshll.u32 s18, $0x4;
	vm15 =	veq.s32 v63, v0;
	v2 =	vsel vm0, v2, v7  }
0xf9: {  	s18 =	sand.u32 $0x3FFFFFF0, s18;
	v2 =	vsel vm15, v3, v2  }
0xfa: {  	p1 =	por $0x0, $0x0;
	[tilespmem:v1+s18+$0x0 ss:$0x1] =	vst.idx.msk $0xffff, v2;
	s18 =	simm.s32 $0x1  }
0xfb: {  	s0 =	sadd.s32 $0x1, s0  }
0xfc: {  	p0 =	sne.s32 s0, $0x10  }
.Ltmp2:
0xfd: {  	_ = 	snop;
	(pc) =	sbr.rel @p0 .LBB2_2-.Ltmp2, $2  }
0xfe: {  	_ =	sdelay $0x2  }
0xff: {  	s29 =	sadd.s32 $0x1000, s29;
	s31 =	sadd.s32 $0x1000, s31  }
0x100: {  	s28 =	sadd.s32 $0x1, s28  }
0x101: {  	p0 =	sne.s32 s28, s10  }
.Ltmp3:
0x102: {  	_ = 	snop;
	(pc) =	sbr.rel @p0 .LBB2_1-.Ltmp3, $4  }
0x103: {  	[hbm4b:s9+s5] =	stream.linear.scatter [tilespmem:s25], [sflag:$0x7], $0x200, $0x38;
	[tilespmem:$0x1E800] =	vst v63  }
0x104: {  	_ =	swait.ge [sflag:s26], $0x200  }
0x105: {  	[sflag:s26] =	ssyncset.done $0x0  }
0x106: {  	[sflag:s26] =	ssyncadd.s32 $0xFFFFFE00  }
0x107: {  	_ =	sfence.sel $0x180000  }
0x108: {  	[bflag:$0x0] =	sbarrier.arrive $0xFFFF  }
0x109: {  	_ =	strace $0x90000047  }
0x10a: {  	s0 =	stileid.u32;
	[bflag:$0x2] =	sbarrier.arrive $0xFFFF  }
0x10b: {  	p0 =	sne.s32 s0, $0x0;
	s0 =	rddreg [dreg:$0x7]  }
0x10c: {  	s0 =	sadd.s32 @!p0 $0x100000, s0  }
0x10d: {  	[sflag:s0] =	ssyncadd.tile.s32 @!p0 $0x1;
	_ =	shalt  }
.Lfunc_end2:
_tile_overlayer_lowered:
.L_overlay_start_2:
0x10e: {  	(tag) =	ssettag $0x2  }
0x10f: {  	s0 =	rddreg [dreg:$0x0];
	s2 =	stileid.u32  }
0x110: {  	s1 =	rddreg [dreg:$0x1];
	p0 =	sne.s32 s2, $0x0  }
0x111: {  	s3 =	rddreg [dreg:$0x2];
	[bflag:$0x3] =	sbarrier.arrive $0xFFFF;
	s2 =	simm.s32 @!p0 $0x1C07  }
0x112: {  	[timem:s3], [sflag:s2] =	dma.local @!p0 [hbm:s0], s1  }
0x113: {  	s0 =	simm.s32 @!p0 $0x7  }
0x114: {  	_ =	swait.ge @!p0 [sflag:s0], s1  }
0x115: {  	s1 =	ssub.s32 @!p0 $0x0, s1;
	[sflag:s0] =	ssyncset.done @!p0 $0x0  }
0x116: {  	[sflag:s0] =	ssyncadd.s32 @!p0 s1  }
0x117: {  	[bflag:$0x3] =	sbarrier.arrive $0xFFFF  }
0x118: {  	_ =	shalt  }

</sc_bundles>
